<compile_context>
chip_gen: v7x
topology: tpu7x:2x2x1
jax: 0.10.2.dev20260603
libtpu: 0.0.44.dev20260713+nightly
codegen_flags: <defaults>
</compile_context>

<pallas_src>
import jax
import jax.numpy as jnp
from jax import lax
from jax.experimental import pallas as pl
from jax.experimental.pallas import tpu as pltpu
from jax.experimental.pallas import tpu_sc as plsc

N = 10000
D = 128
E = 320000
NC = 2
NS = 16
L = 16
W = NC * NS
NPT = 320
NP = W * NPT
EMAXP = 10880
EPA = W * EMAXP
EPA2 = EPA + 512
CH = 2000
GC = 64
GNB = 4
NGC = EMAXP // GC
HC = 160
R8 = D // L


def _mesh():
    return plsc.VectorSubcoreMesh(
        core_axis_name="c", subcore_axis_name="s",
        num_cores=NC, num_subcores=NS)


def _wid():
    return lax.axis_index("c") * NS + lax.axis_index("s")


def _prep_body(dst_hbm, src_hbm, sd_hbm, ss_hbm,
               dbuf, sbuf, cd, cs, outd, outs, hist, cur):
    w = _wid()
    lo = w * NPT
    base = w * EMAXP
    zi = jnp.zeros((L,), jnp.int32)

    def zh(i, _):
        hist[i] = 0
        return 0
    lax.fori_loop(0, NPT, zh, 0)

    def chunk(c, ptr):
        pltpu.sync_copy(dst_hbm.at[pl.ds(c * CH, CH)], dbuf)
        pltpu.sync_copy(src_hbm.at[pl.ds(c * CH, CH)], sbuf)

        iot = lax.iota(jnp.int32, L)

        def vec(j, p):
            d16 = dbuf[pl.ds(j * L, L)]
            s16 = sbuf[pl.ds(j * L, L)]
            m = (d16 >= lo) & (d16 < lo + NPT)
            mi = m.astype(jnp.int32)
            x = mi
            for k in (1, 2, 4, 8):
                sh = lax.gather(
                    x, jnp.maximum(iot - k, 0)[:, None],
                    dimension_numbers=lax.GatherDimensionNumbers(
                        offset_dims=(), collapsed_slice_dims=(0,),
                        start_index_map=(0,)),
                    slice_sizes=(1,),
                    mode=lax.GatherScatterMode.PROMISE_IN_BOUNDS)
                x = x + jnp.where(iot >= k, sh, 0)
            pos = p + x - mi
            plsc.store_scatter(cd, [pos], d16, mask=m)
            plsc.store_scatter(cs, [pos], s16, mask=m)
            pc = plsc.all_reduce_population_count(m)[0]
            return jnp.minimum(p + pc, EMAXP - L)
        return lax.fori_loop(0, CH // L, vec, ptr)
    cnt = lax.fori_loop(0, E // CH, chunk, 0)

    m0 = lax.iota(jnp.int32, L) == 0

    def sh(i, _):
        d = cd[pl.ds(i, L)][0] - lo
        hist[d] = hist[d] + 1
        return 0
    lax.fori_loop(0, cnt, sh, 0)

    def scan(i, run):
        cur[i] = run
        return run + hist[i]
    lax.fori_loop(0, NPT, scan, 0)

    sent = jnp.full((L,), N, jnp.int32)

    def zt(k, _):
        outd[pl.ds(cnt + k * L, L)] = sent
        outs[pl.ds(cnt + k * L, L)] = zi
        return 0
    lax.fori_loop(0, (EMAXP - cnt + L - 1) // L, zt, 0)

    def sc(i, _):
        d = cd[pl.ds(i, L)][0]
        sv = cs[pl.ds(i, L)][0]
        j = d - lo
        p = cur[j]
        cur[j] = p + 1
        pv = jnp.full((L,), p, jnp.int32)
        plsc.store_scatter(outd, [pv], jnp.full((L,), d, jnp.int32), mask=m0)
        plsc.store_scatter(outs, [pv], jnp.full((L,), sv, jnp.int32), mask=m0)
        return 0
    lax.fori_loop(0, cnt, sc, 0)

    pltpu.sync_copy(outd.at[pl.ds(0, EMAXP)], sd_hbm.at[pl.ds(base, EMAXP)])
    pltpu.sync_copy(outs.at[pl.ds(0, EMAXP)], ss_hbm.at[pl.ds(base, EMAXP)])

    @pl.when(w == W - 1)
    def _():
        outd[pl.ds(0, L)] = zi
        pltpu.sync_copy(outd.at[pl.ds(0, L)], sd_hbm.at[pl.ds(EPA, L)])
        pltpu.sync_copy(outd.at[pl.ds(0, L)], ss_hbm.at[pl.ds(EPA, L)])


@jax.jit
def _prep(dst, src):
    f = pl.kernel(
        _prep_body,
        out_type=[
            jax.ShapeDtypeStruct((EPA + L,), jnp.int32),
            jax.ShapeDtypeStruct((EPA + L,), jnp.int32),
        ],
        mesh=_mesh(),
        compiler_params=pltpu.CompilerParams(needs_layout_passes=False),
        scratch_types=[
            pltpu.VMEM((CH,), jnp.int32),
            pltpu.VMEM((CH,), jnp.int32),
            pltpu.VMEM((EMAXP + L,), jnp.int32),
            pltpu.VMEM((EMAXP + L,), jnp.int32),
            pltpu.VMEM((EMAXP + L,), jnp.int32),
            pltpu.VMEM((EMAXP + L,), jnp.int32),
            pltpu.SMEM((NPT,), jnp.int32),
            pltpu.SMEM((NPT,), jnp.int32),
        ],
    )
    return f(dst, src)


def _gather_body(u_hbm, v_hbm, sd_hbm, ss_hbm, g_hbm,
                 idxd, idxs, ul, bv, bo, semv, semo):
    w = _wid()
    lo = w * NPT
    e0 = w * EMAXP
    pltpu.sync_copy(sd_hbm.at[pl.ds(e0, EMAXP)], idxd)
    pltpu.sync_copy(ss_hbm.at[pl.ds(e0, EMAXP)], idxs)
    pltpu.sync_copy(u_hbm.at[pl.ds(lo, NPT)], ul)
    iot = lax.iota(jnp.int32, L)

    def fire(c, s):
        pltpu.async_copy(v_hbm.at[idxs.at[pl.ds(c * GC, GC)]], bv.at[s],
                         semv.at[s])

    def slot(c, s):
        pltpu.make_async_copy(v_hbm.at[idxs.at[pl.ds(0, GC)]], bv.at[s],
                              semv.at[s]).wait()

        @pl.when(c >= GNB)
        def _():
            pltpu.make_async_copy(bo.at[s], g_hbm.at[pl.ds(0, GC)],
                                  semo.at[s]).wait()

        def add(i, _):
            p = c * GC + i
            dv = plsc.load_gather(idxd, [jnp.full((L,), p, jnp.int32)])
            ur = jnp.minimum(dv - lo, NPT - 1)
            for r in range(R8):
                sl = pl.ds(r * L, L)
                urow = plsc.load_gather(ul, [ur, iot + r * L])
                bo[s, i, sl] = jnp.maximum(urow + bv[s, i, sl], 0.0)
            return 0
        lax.fori_loop(0, GC, add, 0, unroll=4)

        pltpu.async_copy(bo.at[s], g_hbm.at[pl.ds(e0 + c * GC, GC)],
                         semo.at[s])

        @pl.when(c + GNB < NGC)
        def _():
            fire(c + GNB, s)

    for s in range(GNB):
        fire(s, s)

    def grp(g, _):
        for s in range(GNB):
            c = GNB * g + s

            @pl.when(c < NGC)
            def _():
                slot(c, s)
        return 0
    lax.fori_loop(0, (NGC + GNB - 1) // GNB, grp, 0)

    for s in range(GNB):
        pltpu.make_async_copy(bo.at[s], g_hbm.at[pl.ds(0, GC)],
                              semo.at[s]).wait()


@jax.jit
def _sc_gather(u, v, sd, ss):
    f = pl.kernel(
        _gather_body,
        out_type=jax.ShapeDtypeStruct((EPA2, D), jnp.float32),
        mesh=_mesh(),
        compiler_params=pltpu.CompilerParams(needs_layout_passes=False),
        scratch_types=[
            pltpu.VMEM((EMAXP,), jnp.int32),
            pltpu.VMEM((EMAXP,), jnp.int32),
            pltpu.VMEM((NPT, D), jnp.float32),
            pltpu.VMEM((GNB, GC, D), jnp.float32),
            pltpu.VMEM((GNB, GC, D), jnp.float32),
            pltpu.SemaphoreType.DMA((GNB,)),
            pltpu.SemaphoreType.DMA((GNB,)),
        ],
    )
    return f(u, v, sd, ss)


def _make_segmax_body(init):
    NCH = EMAXP // HC

    def body(h_hbm, sd_hbm, out_hbm, db, hb, ob, semh):
        w = _wid()
        lo = w * NPT
        base = w * EMAXP
        pltpu.sync_copy(sd_hbm.at[pl.ds(base, EMAXP + L)], db)

        zf = jnp.zeros((L,), jnp.float32)

        def zo(i, _):
            ob[i // R8, pl.ds((i % R8) * L, L)] = zf
            return 0
        lax.fori_loop(0, NPT * R8, zo, 0)

        ini = jnp.full((L,), init, jnp.float32)
        iot = lax.iota(jnp.int32, L)

        def fire(c, s):
            pltpu.async_copy(h_hbm.at[pl.ds(base + c * HC, HC)], hb.at[s],
                             semh.at[s])

        def slot(c, s, carry):
            pltpu.make_async_copy(h_hbm.at[pl.ds(0, HC)], hb.at[s],
                                  semh.at[s]).wait()

            def row(i, cr):
                dprevv = cr[0]
                acc = list(cr[1:])
                p = c * HC + i
                dv = plsc.load_gather(db, [jnp.full((L,), p, jnp.int32)])
                newseg = dv != dprevv
                ov = jnp.clip(dv - lo, 0, NPT)
                nacc = []
                for r in range(R8):
                    a = jnp.where(newseg, ini, acc[r])
                    hrow = hb[s, i, pl.ds(r * L, L)]
                    nacc.append(jnp.maximum(a, hrow))
                for r in range(R8):
                    plsc.store_scatter(ob, [ov, iot + r * L], nacc[r])
                dprevv = jnp.where(newseg, dv, dprevv)
                return (dprevv,) + tuple(nacc)
            carry = lax.fori_loop(0, HC, row, carry, unroll=2)

            @pl.when(c + 2 < NCH)
            def _():
                fire(c + 2, s)
            return carry

        fire(0, 0)
        fire(1, 1)
        carry = (jnp.full((L,), -1, jnp.int32),) + tuple(
            ini for _ in range(R8))

        def grp(g, cr):
            cr = slot(2 * g, 0, cr)
            cr = slot(2 * g + 1, 1, cr)
            return cr
        carry = lax.fori_loop(0, NCH // 2, grp, carry)
        pltpu.sync_copy(ob.at[pl.ds(0, NPT)], out_hbm.at[pl.ds(lo, NPT)])
    return body


def _sc_segmax(h, sd, init):
    f = pl.kernel(
        _make_segmax_body(init),
        out_type=jax.ShapeDtypeStruct((NP, D), jnp.float32),
        mesh=_mesh(),
        compiler_params=pltpu.CompilerParams(needs_layout_passes=False),
        scratch_types=[
            pltpu.VMEM((EMAXP + L,), jnp.int32),
            pltpu.VMEM((2, HC, D), jnp.float32),
            pltpu.VMEM((NPT + 1, D), jnp.float32),
            pltpu.SemaphoreType.DMA((2,)),
        ],
    )
    return f(h, sd)


def _uv_body(x_ref, wd_ref, wb_ref, b1_ref, u_ref, v_ref):
    x = x_ref[...]
    u_ref[...] = jnp.dot(x, wd_ref[...], preferred_element_type=jnp.float32,
                         precision=jax.lax.Precision.HIGHEST) + b1_ref[...]
    v_ref[...] = jnp.dot(x, wb_ref[...], preferred_element_type=jnp.float32,
                         precision=jax.lax.Precision.HIGHEST)


@jax.jit
def _uv(xp, W1, b1):
    wa = W1[:D]
    wb = W1[D:]
    wd = wa - wb
    nblk = NP // 512
    return pl.pallas_call(
        _uv_body,
        grid=(nblk,),
        in_specs=[
            pl.BlockSpec((512, D), lambda i: (i, 0)),
            pl.BlockSpec((D, D), lambda i: (0, 0)),
            pl.BlockSpec((D, D), lambda i: (0, 0)),
            pl.BlockSpec((D,), lambda i: (0,)),
        ],
        out_specs=[
            pl.BlockSpec((512, D), lambda i: (i, 0)),
            pl.BlockSpec((512, D), lambda i: (i, 0)),
        ],
        out_shape=[
            jax.ShapeDtypeStruct((NP, D), jnp.float32),
            jax.ShapeDtypeStruct((NP, D), jnp.float32),
        ],
    )(xp, wd, wb, b1)


def _h_body(g_ref, w2_ref, b2_ref, h_ref):
    h_ref[...] = (
        jnp.dot(g_ref[...], w2_ref[...], preferred_element_type=jnp.float32,
                precision=jax.lax.Precision.HIGHEST)
        + b2_ref[...]
    )


@jax.jit
def _edge_mlp2(g, W2, b2):
    nblk = EPA2 // 512
    return pl.pallas_call(
        _h_body,
        grid=(nblk,),
        in_specs=[
            pl.BlockSpec((512, D), lambda i: (i, 0)),
            pl.BlockSpec((D, D), lambda i: (0, 0)),
            pl.BlockSpec((D,), lambda i: (0,)),
        ],
        out_specs=pl.BlockSpec((512, D), lambda i: (i, 0)),
        out_shape=jax.ShapeDtypeStruct((EPA2, D), jnp.float32),
    )(g, W2, b2)


def _layer(xp, sd, ss, W1, b1, W2, b2, final):
    u, v = _uv(xp, W1, b1)
    g = _sc_gather(u, v, sd, ss)
    h = _edge_mlp2(g, W2, b2)
    return _sc_segmax(h, sd, float("-inf") if final else 0.0)


def kernel(x, edge_index, W1_in, b1_in, W2_in, b2_in, W1_hid, b1_hid,
           W2_hid, b2_hid, W1_out, b1_out, W2_out, b2_out):
    src = edge_index[0]
    dst = edge_index[1]
    sd, ss = _prep(dst, src)
    xp = jnp.zeros((NP, D), jnp.float32).at[:N].set(x)
    xp = _layer(xp, sd, ss, W1_in, b1_in, W2_in, b2_in, final=False)
    xp = _layer(xp, sd, ss, W1_hid, b1_hid, W2_hid, b2_hid, final=False)
    xp = _layer(xp, sd, ss, W1_out, b1_out, W2_out, b2_out, final=True)
    return xp[:N]

# --- scband reference (transcript-rebuilt; emitter-appended) ---
"""Pipeline reference for scband-edge-conv-net-4415226380301 (READ-ONLY COPY).

The authoritative reference and input builder live on the scoring server;
editing this copy changes nothing except your own understanding.
"""

import jax, jax.numpy as jnp
import numpy as np

N = 10000
E = 320000
D = 128
H = 128
O = 128


def setup_inputs(seed: int = 0) -> dict:
    key = jax.random.key(seed)
    ks = jax.random.split(key, 16)
    x = jax.random.normal(ks[0], (N, D), dtype=jnp.float32)
    edge_index = jax.random.randint(ks[1], (2, E), 0, N, dtype=jnp.int32)
    s = 0.05
    params = {
        'W1_in': jax.random.normal(ks[2], (2 * D, H), jnp.float32) * s,
        'b1_in': jnp.zeros((H,), jnp.float32),
        'W2_in': jax.random.normal(ks[3], (H, H), jnp.float32) * s,
        'b2_in': jnp.zeros((H,), jnp.float32),
        'W1_hid': jax.random.normal(ks[4], (2 * H, H), jnp.float32) * s,
        'b1_hid': jnp.zeros((H,), jnp.float32),
        'W2_hid': jax.random.normal(ks[5], (H, H), jnp.float32) * s,
        'b2_hid': jnp.zeros((H,), jnp.float32),
        'W1_out': jax.random.normal(ks[6], (2 * H, H), jnp.float32) * s,
        'b1_out': jnp.zeros((H,), jnp.float32),
        'W2_out': jax.random.normal(ks[7], (H, O), jnp.float32) * s,
        'b2_out': jnp.zeros((O,), jnp.float32),
    }
    out = {'x': x, 'edge_index': edge_index}
    out.update(params)
    return out


def _edge_conv(x, src, dst, W1, b1, W2, b2):
    # PyG EdgeConv: message = nn(cat([x_i, x_j - x_i])), aggr='max' over dst
    x_i = x[dst]
    x_j = x[src]
    m = jnp.concatenate([x_i, x_j - x_i], axis=-1)
    h = jnp.maximum(m @ W1 + b1, 0.0) @ W2 + b2
    agg = jax.ops.segment_max(h, dst, num_segments=N)
    # nodes with no incoming edges get 0 (torch_scatter default fill)
    return jnp.where(jnp.isneginf(agg), 0.0, agg)


def reference(x, edge_index, W1_in, b1_in, W2_in, b2_in, W1_hid, b1_hid, W2_hid, b2_hid, W1_out, b1_out, W2_out, b2_out):
    src = edge_index[0]
    dst = edge_index[1]
    x = _edge_conv(x, src, dst, W1_in, b1_in, W2_in, b2_in)
    x = jnp.maximum(x, 0.0)
    x = _edge_conv(x, src, dst, W1_hid, b1_hid, W2_hid, b2_hid)
    x = jnp.maximum(x, 0.0)
    x = _edge_conv(x, src, dst, W1_out, b1_out, W2_out, b2_out)
    return x

if __name__ == "__main__":
    import jax
    _d = setup_inputs()
    print(jax.jit(kernel)(*tuple(_d.values())))

</pallas_src>

<mosaic_0001>
#map = affine_map<(d0, d1) -> (0)>
module attributes {stable_mosaic.version = 14 : i64} {
  func.func @_prep_body(%arg0: i32, %arg1: i32, %arg2: memref<320000xi32, #tpu.memory_space<hbm>>, %arg3: memref<320000xi32, #tpu.memory_space<hbm>>, %arg4: memref<348176xi32, #tpu.memory_space<hbm>>, %arg5: memref<348176xi32, #tpu.memory_space<hbm>>, %arg6: memref<2000xi32, #tpu.memory_space<vmem>>, %arg7: memref<2000xi32, #tpu.memory_space<vmem>>, %arg8: memref<10896xi32, #tpu.memory_space<vmem>>, %arg9: memref<10896xi32, #tpu.memory_space<vmem>>, %arg10: memref<10896xi32, #tpu.memory_space<vmem>>, %arg11: memref<10896xi32, #tpu.memory_space<vmem>>, %arg12: memref<320xi32, #tpu.memory_space<smem>>, %arg13: memref<320xi32, #tpu.memory_space<smem>>) attributes {dimension_semantics = [#tpu.dimension_semantics<core_parallel>, #tpu.dimension_semantics<subcore_parallel>], iteration_bounds = array<i64: 2, 16>, scalar_prefetch = 0 : i64, scratch_operands = 8 : i64, tpu.core_type = #tpu.core_type<sc_vector_subcore>, window_params = [{transform_indices = #map}, {transform_indices = #map}, {transform_indices = #map}, {transform_indices = #map}]} {
    %mul3A = arith.constant 16 : i32
    %mul3A_0 = arith.muli %arg0, %mul3A : i32
    %add3A = arith.addi %mul3A_0, %arg1 : i32
    %mul3A_1 = arith.constant 320 : i32
    %mul3A_2 = arith.muli %add3A, %mul3A_1 : i32
    %mul3A_3 = arith.constant 10880 : i32
    %mul3A_4 = arith.muli %add3A, %mul3A_3 : i32
    %broadcast_in_dim3A = arith.constant 0 : i32
    %broadcast_in_dim3A_5 = vector.broadcast %broadcast_in_dim3A : i32 to vector<16xi32>
    %scan3A = arith.constant 0 : i32
    %scan3A_6 = arith.constant 0 : i32
    %scan3A_7 = arith.constant 320 : i32
    %scan3A_8 = arith.addi %scan3A_6, %scan3A_7 : i32
    %scan3A_9 = arith.constant 1 : i32
    %scan3A_10 = scf.for %scan3A_90 = %scan3A_6 to %scan3A_8 step %scan3A_9 iter_args(%scan3A_91 = %scan3A) -> (i32)  : i32 {
      %swap3A = arith.constant 0 : i32
      %swap3A_92 = arith.index_cast %scan3A_90 : i32 to index
      %swap3A_93 = memref.load %arg12[%swap3A_92] : memref<320xi32, #tpu.memory_space<smem>>
      memref.store %swap3A, %arg12[%swap3A_92] : memref<320xi32, #tpu.memory_space<smem>>
      %scan3A_94 = arith.constant 0 : i32
      scf.yield %scan3A_94 : i32
    }
    %scan3A_11 = arith.constant 320 : i32
    %scan3A_12 = arith.constant 0 : i32
    %scan3A_13 = arith.constant 0 : i32
    %scan3A_14 = arith.constant 160 : i32
    %scan3A_15 = arith.addi %scan3A_13, %scan3A_14 : i32
    %scan3A_16 = arith.constant 1 : i32
    %scan3A_17 = scf.for %scan3A_90 = %scan3A_13 to %scan3A_15 step %scan3A_16 iter_args(%scan3A_91 = %scan3A_12) -> (i32)  : i32 {
      %mul3A_92 = arith.constant 2000 : i32
      %mul3A_93 = arith.muli %scan3A_90, %mul3A_92 : i32
      "tpu.region"() ({
        %run_scoped3A = tpu.sem_alloc : memref<!tpu.dma_semaphore, #tpu.memory_space<semaphore_mem>>
        %dma_start3A = tpu.memref_slice %arg2[%mul3A_93] : memref<320000xi32, #tpu.memory_space<hbm>> -> memref<2000xi32, #tpu.memory_space<hbm>>
        %dma_start3A_103 = tpu.memref_slice %arg2[%mul3A_93] : memref<320000xi32, #tpu.memory_space<hbm>> -> memref<2000xi32, #tpu.memory_space<hbm>>
        tpu.enqueue_dma source(%dma_start3A_103 : memref<2000xi32, #tpu.memory_space<hbm>>) target(%arg6 : memref<2000xi32, #tpu.memory_space<vmem>>) target_semaphore(%run_scoped3A : memref<!tpu.dma_semaphore, #tpu.memory_space<semaphore_mem>>)
        %dma_wait3A = tpu.memref_slice %arg2[%mul3A_93] : memref<320000xi32, #tpu.memory_space<hbm>> -> memref<2000xi32, #tpu.memory_space<hbm>>
        %dma_wait3A_104 = tpu.memref_slice %arg2[%mul3A_93] : memref<320000xi32, #tpu.memory_space<hbm>> -> memref<2000xi32, #tpu.memory_space<hbm>>
        tpu.wait_dma2 semaphore(%run_scoped3A : memref<!tpu.dma_semaphore, #tpu.memory_space<semaphore_mem>>) src(%dma_wait3A_104 : memref<2000xi32, #tpu.memory_space<hbm>>) dst(%arg6 : memref<2000xi32, #tpu.memory_space<vmem>>)
        tpu.yield
      }) : () -> ()
      %mul3A_94 = arith.constant 2000 : i32
      %mul3A_95 = arith.muli %scan3A_90, %mul3A_94 : i32
      "tpu.region"() ({
        %run_scoped3A = tpu.sem_alloc : memref<!tpu.dma_semaphore, #tpu.memory_space<semaphore_mem>>
        %dma_start3A = tpu.memref_slice %arg3[%mul3A_95] : memref<320000xi32, #tpu.memory_space<hbm>> -> memref<2000xi32, #tpu.memory_space<hbm>>
        %dma_start3A_103 = tpu.memref_slice %arg3[%mul3A_95] : memref<320000xi32, #tpu.memory_space<hbm>> -> memref<2000xi32, #tpu.memory_space<hbm>>
        tpu.enqueue_dma source(%dma_start3A_103 : memref<2000xi32, #tpu.memory_space<hbm>>) target(%arg7 : memref<2000xi32, #tpu.memory_space<vmem>>) target_semaphore(%run_scoped3A : memref<!tpu.dma_semaphore, #tpu.memory_space<semaphore_mem>>)
        %dma_wait3A = tpu.memref_slice %arg3[%mul3A_95] : memref<320000xi32, #tpu.memory_space<hbm>> -> memref<2000xi32, #tpu.memory_space<hbm>>
        %dma_wait3A_104 = tpu.memref_slice %arg3[%mul3A_95] : memref<320000xi32, #tpu.memory_space<hbm>> -> memref<2000xi32, #tpu.memory_space<hbm>>
        tpu.wait_dma2 semaphore(%run_scoped3A : memref<!tpu.dma_semaphore, #tpu.memory_space<semaphore_mem>>) src(%dma_wait3A_104 : memref<2000xi32, #tpu.memory_space<hbm>>) dst(%arg7 : memref<2000xi32, #tpu.memory_space<vmem>>)
        tpu.yield
      }) : () -> ()
      %iota3A_96 = tpu.iota {dimensions = array<i32: 0>} : vector<16xi32>
      %scan3A_97 = arith.constant 0 : i32
      %scan3A_98 = arith.constant 125 : i32
      %scan3A_99 = arith.addi %scan3A_97, %scan3A_98 : i32
      %scan3A_100 = arith.constant 1 : i32
      %scan3A_101 = scf.for %scan3A_103 = %scan3A_97 to %scan3A_99 step %scan3A_100 iter_args(%scan3A_104 = %scan3A_91) -> (i32)  : i32 {
        %mul3A_105 = arith.constant 16 : i32
        %mul3A_106 = arith.muli %scan3A_103, %mul3A_105 : i32
        %get3A = arith.index_cast %mul3A_106 : i32 to index
        %get3A_107 = tpu.vector_load %arg6[%get3A] {strides = array<i32>} : memref<2000xi32, #tpu.memory_space<vmem>>, vector<16xi32>,
        %mul3A_108 = arith.constant 16 : i32
        %mul3A_109 = arith.muli %scan3A_103, %mul3A_108 : i32
        %get3A_110 = arith.index_cast %mul3A_109 : i32 to index
        %get3A_111 = tpu.vector_load %arg7[%get3A_110] {strides = array<i32>} : memref<2000xi32, #tpu.memory_space<vmem>>, vector<16xi32>,
        %ge3A = vector.broadcast %mul3A_2 : i32 to vector<16xi32>
        %ge3A_112 = arith.cmpi sge, %get3A_107, %ge3A : vector<16xi32>
        %add3A_113 = arith.constant 320 : i32
        %add3A_114 = arith.addi %mul3A_2, %add3A_113 : i32
        %lt3A = vector.broadcast %add3A_114 : i32 to vector<16xi32>
        %lt3A_115 = arith.cmpi slt, %get3A_107, %lt3A : vector<16xi32>
        %and3A_116 = arith.andi %ge3A_112, %lt3A_115 : vector<16xi1>
        %convert_element_type3A_117 = arith.extui %and3A_116 : vector<16xi1> to vector<16xi32>
        %sub3A_118 = arith.constant 1 : i32
        %sub3A_119 = vector.broadcast %sub3A_118 : i32 to vector<16xi32>
        %sub3A_120 = arith.subi %iota3A_96, %sub3A_119 : vector<16xi32>
        %max3A = arith.constant 0 : i32
        %max3A_121 = vector.broadcast %max3A : i32 to vector<16xi32>
        %max3A_122 = arith.maxsi %sub3A_120, %max3A_121 : vector<16xi32>
        %broadcast_in_dim3A_123 = vector.shape_cast %max3A_122 : vector<16xi32> to vector<16x1xi32>
        %gather3A = vector.shape_cast %broadcast_in_dim3A_123 : vector<16x1xi32> to vector<16xi32>
        %gather3A_124 = tpu.dynamic_gather %convert_element_type3A_117[%gather3A] in [0] : vector<16xi32>, vector<16xi32> -> vector<16xi32>
        %ge3A_125 = arith.constant 1 : i32
        %ge3A_126 = vector.broadcast %ge3A_125 : i32 to vector<16xi32>
        %ge3A_127 = arith.cmpi sge, %iota3A_96, %ge3A_126 : vector<16xi32>
        %jit3A_128 = arith.constant 0 : i32
        %broadcast_in_dim3A_129 = vector.broadcast %jit3A_128 : i32 to vector<16xi32>
        %select_n3A_130 = arith.select %ge3A_127, %gather3A_124, %broadcast_in_dim3A_129 : vector<16xi1>, vector<16xi32>
        %add3A_131 = arith.addi %convert_element_type3A_117, %select_n3A_130 : vector<16xi32>
        %sub3A_132 = arith.constant 2 : i32
        %sub3A_133 = vector.broadcast %sub3A_132 : i32 to vector<16xi32>
        %sub3A_134 = arith.subi %iota3A_96, %sub3A_133 : vector<16xi32>
        %max3A_135 = arith.constant 0 : i32
        %max3A_136 = vector.broadcast %max3A_135 : i32 to vector<16xi32>
        %max3A_137 = arith.maxsi %sub3A_134, %max3A_136 : vector<16xi32>
        %broadcast_in_dim3A_138 = vector.shape_cast %max3A_137 : vector<16xi32> to vector<16x1xi32>
        %gather3A_139 = vector.shape_cast %broadcast_in_dim3A_138 : vector<16x1xi32> to vector<16xi32>
        %gather3A_140 = tpu.dynamic_gather %add3A_131[%gather3A_139] in [0] : vector<16xi32>, vector<16xi32> -> vector<16xi32>
        %ge3A_141 = arith.constant 2 : i32
        %ge3A_142 = vector.broadcast %ge3A_141 : i32 to vector<16xi32>
        %ge3A_143 = arith.cmpi sge, %iota3A_96, %ge3A_142 : vector<16xi32>
        %jit3A_144 = arith.constant 0 : i32
        %broadcast_in_dim3A_145 = vector.broadcast %jit3A_144 : i32 to vector<16xi32>
        %select_n3A_146 = arith.select %ge3A_143, %gather3A_140, %broadcast_in_dim3A_145 : vector<16xi1>, vector<16xi32>
        %add3A_147 = arith.addi %add3A_131, %select_n3A_146 : vector<16xi32>
        %sub3A_148 = arith.constant 4 : i32
        %sub3A_149 = vector.broadcast %sub3A_148 : i32 to vector<16xi32>
        %sub3A_150 = arith.subi %iota3A_96, %sub3A_149 : vector<16xi32>
        %max3A_151 = arith.constant 0 : i32
        %max3A_152 = vector.broadcast %max3A_151 : i32 to vector<16xi32>
        %max3A_153 = arith.maxsi %sub3A_150, %max3A_152 : vector<16xi32>
        %broadcast_in_dim3A_154 = vector.shape_cast %max3A_153 : vector<16xi32> to vector<16x1xi32>
        %gather3A_155 = vector.shape_cast %broadcast_in_dim3A_154 : vector<16x1xi32> to vector<16xi32>
        %gather3A_156 = tpu.dynamic_gather %add3A_147[%gather3A_155] in [0] : vector<16xi32>, vector<16xi32> -> vector<16xi32>
        %ge3A_157 = arith.constant 4 : i32
        %ge3A_158 = vector.broadcast %ge3A_157 : i32 to vector<16xi32>
        %ge3A_159 = arith.cmpi sge, %iota3A_96, %ge3A_158 : vector<16xi32>
        %jit3A_160 = arith.constant 0 : i32
        %broadcast_in_dim3A_161 = vector.broadcast %jit3A_160 : i32 to vector<16xi32>
        %select_n3A_162 = arith.select %ge3A_159, %gather3A_156, %broadcast_in_dim3A_161 : vector<16xi1>, vector<16xi32>
        %add3A_163 = arith.addi %add3A_147, %select_n3A_162 : vector<16xi32>
        %sub3A_164 = arith.constant 8 : i32
        %sub3A_165 = vector.broadcast %sub3A_164 : i32 to vector<16xi32>
        %sub3A_166 = arith.subi %iota3A_96, %sub3A_165 : vector<16xi32>
        %max3A_167 = arith.constant 0 : i32
        %max3A_168 = vector.broadcast %max3A_167 : i32 to vector<16xi32>
        %max3A_169 = arith.maxsi %sub3A_166, %max3A_168 : vector<16xi32>
        %broadcast_in_dim3A_170 = vector.shape_cast %max3A_169 : vector<16xi32> to vector<16x1xi32>
        %gather3A_171 = vector.shape_cast %broadcast_in_dim3A_170 : vector<16x1xi32> to vector<16xi32>
        %gather3A_172 = tpu.dynamic_gather %add3A_163[%gather3A_171] in [0] : vector<16xi32>, vector<16xi32> -> vector<16xi32>
        %ge3A_173 = arith.constant 8 : i32
        %ge3A_174 = vector.broadcast %ge3A_173 : i32 to vector<16xi32>
        %ge3A_175 = arith.cmpi sge, %iota3A_96, %ge3A_174 : vector<16xi32>
        %jit3A_176 = arith.constant 0 : i32
        %broadcast_in_dim3A_177 = vector.broadcast %jit3A_176 : i32 to vector<16xi32>
        %select_n3A_178 = arith.select %ge3A_175, %gather3A_172, %broadcast_in_dim3A_177 : vector<16xi1>, vector<16xi32>
        %add3A_179 = arith.addi %add3A_163, %select_n3A_178 : vector<16xi32>
        %add3A_180 = vector.broadcast %scan3A_104 : i32 to vector<16xi32>
        %add3A_181 = arith.addi %add3A_180, %add3A_179 : vector<16xi32>
        %sub3A_182 = arith.subi %add3A_181, %convert_element_type3A_117 : vector<16xi32>
        tpu.vector_store_idx %arg8[%sub3A_182], %get3A_107 masked %and3A_116 : memref<10896xi32, #tpu.memory_space<vmem>>[vector<16xi32>], vector<16xi32>, vector<16xi1>
        tpu.vector_store_idx %arg9[%sub3A_182], %get3A_111 masked %and3A_116 : memref<10896xi32, #tpu.memory_space<vmem>>[vector<16xi32>], vector<16xi32>, vector<16xi1>
        %all_reduce_population_count3A = tpu.all_reduce %and3A_116 {dim = 0 : i64, kind = #tpu.reduction_kind<sum>} : vector<16xi1> -> vector<16xi32>
        %slice3A = vector.extract_strided_slice %all_reduce_population_count3A {offsets = [0], sizes = [1], strides = [1]} : vector<16xi32> to vector<1xi32>
        %squeeze3A = vector.extract %slice3A[0] : i32 from vector<1xi32>
        %add3A_183 = arith.addi %scan3A_104, %squeeze3A : i32
        %min3A = arith.constant 10864 : i32
        %min3A_184 = arith.minsi %add3A_183, %min3A : i32
        scf.yield %min3A_184 : i32
      }
      %scan3A_102 = arith.constant 125 : i32
      scf.yield %scan3A_101 : i32
    }
    %scan3A_18 = arith.constant 160 : i32
    %iota3A = tpu.iota {dimensions = array<i32: 0>} : vector<16xi32>
    %eq3A = arith.constant 0 : i32
    %eq3A_19 = vector.broadcast %eq3A : i32 to vector<16xi32>
    %eq3A_20 = arith.cmpi eq, %iota3A, %eq3A_19 : vector<16xi32>
    %while3A = arith.constant 0 : i32
    %while3A_21 = arith.constant 0 : i32
    %while3A_22 = arith.subi %scan3A_17, %while3A : i32
    %while3A_23 = arith.addi %while3A, %while3A_22 : i32
    %while3A_24 = arith.constant 1 : i32
    %while3A_25 = arith.divsi %while3A_22, %while3A_24 : i32
    %while3A_26 = arith.muli %while3A_25, %while3A_24 : i32
    %while3A_27 = arith.addi %while3A, %while3A_26 : i32
    %while3A_28 = arith.constant 1 : i32
    %while3A_29 = scf.for %while3A_90 = %while3A to %while3A_27 step %while3A_28 iter_args(%while3A_91 = %while3A_21) -> (i32)  : i32 {
      %get3A = arith.index_cast %while3A_90 : i32 to index
      %get3A_92 = tpu.vector_load %arg8[%get3A] {strides = array<i32>} : memref<10896xi32, #tpu.memory_space<vmem>>, vector<16xi32>,
      %slice3A = vector.extract_strided_slice %get3A_92 {offsets = [0], sizes = [1], strides = [1]} : vector<16xi32> to vector<1xi32>
      %squeeze3A = vector.extract %slice3A[0] : i32 from vector<1xi32>
      %sub3A_93 = arith.subi %squeeze3A, %mul3A_2 : i32
      %get3A_94 = arith.index_cast %sub3A_93 : i32 to index
      %get3A_95 = memref.load %arg12[%get3A_94] : memref<320xi32, #tpu.memory_space<smem>>
      %add3A_96 = arith.constant 1 : i32
      %add3A_97 = arith.addi %get3A_95, %add3A_96 : i32
      %swap3A = arith.index_cast %sub3A_93 : i32 to index
      %swap3A_98 = memref.load %arg12[%swap3A] : memref<320xi32, #tpu.memory_space<smem>>
      memref.store %add3A_97, %arg12[%swap3A] : memref<320xi32, #tpu.memory_space<smem>>
      %while3A_99 = arith.constant 0 : i32
      scf.yield %while3A_99 : i32
    }
    %while3A_30 = arith.constant 1 : i32
    %while3A_31 = scf.for %while3A_90 = %while3A_27 to %while3A_23 step %while3A_30 iter_args(%while3A_91 = %while3A_29) -> (i32)  : i32 {
      %get3A = arith.index_cast %while3A_90 : i32 to index
      %get3A_92 = tpu.vector_load %arg8[%get3A] {strides = array<i32>} : memref<10896xi32, #tpu.memory_space<vmem>>, vector<16xi32>,
      %slice3A = vector.extract_strided_slice %get3A_92 {offsets = [0], sizes = [1], strides = [1]} : vector<16xi32> to vector<1xi32>
      %squeeze3A = vector.extract %slice3A[0] : i32 from vector<1xi32>
      %sub3A_93 = arith.subi %squeeze3A, %mul3A_2 : i32
      %get3A_94 = arith.index_cast %sub3A_93 : i32 to index
      %get3A_95 = memref.load %arg12[%get3A_94] : memref<320xi32, #tpu.memory_space<smem>>
      %add3A_96 = arith.constant 1 : i32
      %add3A_97 = arith.addi %get3A_95, %add3A_96 : i32
      %swap3A = arith.index_cast %sub3A_93 : i32 to index
      %swap3A_98 = memref.load %arg12[%swap3A] : memref<320xi32, #tpu.memory_space<smem>>
      memref.store %add3A_97, %arg12[%swap3A] : memref<320xi32, #tpu.memory_space<smem>>
      %while3A_99 = arith.constant 0 : i32
      scf.yield %while3A_99 : i32
    }
    %scan3A_32 = arith.constant 0 : i32
    %scan3A_33 = arith.constant 0 : i32
    %scan3A_34 = arith.constant 320 : i32
    %scan3A_35 = arith.addi %scan3A_33, %scan3A_34 : i32
    %scan3A_36 = arith.constant 1 : i32
    %scan3A_37 = scf.for %scan3A_90 = %scan3A_33 to %scan3A_35 step %scan3A_36 iter_args(%scan3A_91 = %scan3A_32) -> (i32)  : i32 {
      %swap3A = arith.index_cast %scan3A_90 : i32 to index
      %swap3A_92 = memref.load %arg13[%swap3A] : memref<320xi32, #tpu.memory_space<smem>>
      memref.store %scan3A_91, %arg13[%swap3A] : memref<320xi32, #tpu.memory_space<smem>>
      %get3A = arith.index_cast %scan3A_90 : i32 to index
      %get3A_93 = memref.load %arg12[%get3A] : memref<320xi32, #tpu.memory_space<smem>>
      %add3A_94 = arith.addi %scan3A_91, %get3A_93 : i32
      scf.yield %add3A_94 : i32
    }
    %scan3A_38 = arith.constant 320 : i32
    %broadcast_in_dim3A_39 = arith.constant 10000 : i32
    %broadcast_in_dim3A_40 = vector.broadcast %broadcast_in_dim3A_39 : i32 to vector<16xi32>
    %sub3A = arith.constant 10880 : i32
    %sub3A_41 = arith.subi %sub3A, %scan3A_17 : i32
    %add3A_42 = arith.constant 16 : i32
    %add3A_43 = arith.addi %sub3A_41, %add3A_42 : i32
    %sub3A_44 = arith.constant 1 : i32
    %sub3A_45 = arith.subi %add3A_43, %sub3A_44 : i32
    %jit3A = arith.constant 16 : i32
    %div3A = arith.divsi %sub3A_45, %jit3A : i32
    %sign3A = arith.constant 0 : i32
    %sign3A_46 = arith.cmpi sgt, %sub3A_45, %sign3A : i32
    %sign3A_47 = arith.extui %sign3A_46 : i1 to i32
    %sign3A_48 = arith.constant 0 : i32
    %sign3A_49 = arith.cmpi slt, %sub3A_45, %sign3A_48 : i32
    %sign3A_50 = arith.extui %sign3A_49 : i1 to i32
    %sign3A_51 = arith.subi %sign3A_47, %sign3A_50 : i32
    %sign3A_52 = arith.constant 0 : i32
    %sign3A_53 = arith.cmpi sgt, %jit3A, %sign3A_52 : i32
    %sign3A_54 = arith.extui %sign3A_53 : i1 to i32
    %sign3A_55 = arith.constant 0 : i32
    %sign3A_56 = arith.cmpi slt, %jit3A, %sign3A_55 : i32
    %sign3A_57 = arith.extui %sign3A_56 : i1 to i32
    %sign3A_58 = arith.subi %sign3A_54, %sign3A_57 : i32
    %ne3A = arith.cmpi ne, %sign3A_51, %sign3A_58 : i32
    %rem3A = arith.remsi %sub3A_45, %jit3A : i32
    %ne3A_59 = arith.constant 0 : i32
    %ne3A_60 = arith.cmpi ne, %rem3A, %ne3A_59 : i32
    %and3A = arith.andi %ne3A, %ne3A_60 : i1
    %sub3A_61 = arith.constant 1 : i32
    %sub3A_62 = arith.subi %div3A, %sub3A_61 : i32
    %select_n3A = arith.select %and3A, %sub3A_62, %div3A : i32
    %while3A_63 = arith.constant 0 : i32
    %while3A_64 = arith.constant 0 : i32
    %while3A_65 = arith.subi %select_n3A, %while3A_63 : i32
    %while3A_66 = arith.addi %while3A_63, %while3A_65 : i32
    %while3A_67 = arith.constant 1 : i32
    %while3A_68 = arith.divsi %while3A_65, %while3A_67 : i32
    %while3A_69 = arith.muli %while3A_68, %while3A_67 : i32
    %while3A_70 = arith.addi %while3A_63, %while3A_69 : i32
    %while3A_71 = arith.constant 1 : i32
    %while3A_72 = scf.for %while3A_90 = %while3A_63 to %while3A_70 step %while3A_71 iter_args(%while3A_91 = %while3A_64) -> (i32)  : i32 {
      %mul3A_92 = arith.constant 16 : i32
      %mul3A_93 = arith.muli %while3A_90, %mul3A_92 : i32
      %add3A_94 = arith.addi %scan3A_17, %mul3A_93 : i32
      %swap3A = arith.index_cast %add3A_94 : i32 to index
      %swap3A_95 = tpu.vector_load %arg10[%swap3A] {strides = array<i32>} : memref<10896xi32, #tpu.memory_space<vmem>>, vector<16xi32>,
      tpu.vector_store %arg10[%swap3A], %broadcast_in_dim3A_40 {strides = array<i32>} : memref<10896xi32, #tpu.memory_space<vmem>>, vector<16xi32>,
      %mul3A_96 = arith.constant 16 : i32
      %mul3A_97 = arith.muli %while3A_90, %mul3A_96 : i32
      %add3A_98 = arith.addi %scan3A_17, %mul3A_97 : i32
      %swap3A_99 = arith.index_cast %add3A_98 : i32 to index
      %swap3A_100 = tpu.vector_load %arg11[%swap3A_99] {strides = array<i32>} : memref<10896xi32, #tpu.memory_space<vmem>>, vector<16xi32>,
      tpu.vector_store %arg11[%swap3A_99], %broadcast_in_dim3A_5 {strides = array<i32>} : memref<10896xi32, #tpu.memory_space<vmem>>, vector<16xi32>,
      %while3A_101 = arith.constant 0 : i32
      scf.yield %while3A_101 : i32
    }
    %while3A_73 = arith.constant 1 : i32
    %while3A_74 = scf.for %while3A_90 = %while3A_70 to %while3A_66 step %while3A_73 iter_args(%while3A_91 = %while3A_72) -> (i32)  : i32 {
      %mul3A_92 = arith.constant 16 : i32
      %mul3A_93 = arith.muli %while3A_90, %mul3A_92 : i32
      %add3A_94 = arith.addi %scan3A_17, %mul3A_93 : i32
      %swap3A = arith.index_cast %add3A_94 : i32 to index
      %swap3A_95 = tpu.vector_load %arg10[%swap3A] {strides = array<i32>} : memref<10896xi32, #tpu.memory_space<vmem>>, vector<16xi32>,
      tpu.vector_store %arg10[%swap3A], %broadcast_in_dim3A_40 {strides = array<i32>} : memref<10896xi32, #tpu.memory_space<vmem>>, vector<16xi32>,
      %mul3A_96 = arith.constant 16 : i32
      %mul3A_97 = arith.muli %while3A_90, %mul3A_96 : i32
      %add3A_98 = arith.addi %scan3A_17, %mul3A_97 : i32
      %swap3A_99 = arith.index_cast %add3A_98 : i32 to index
      %swap3A_100 = tpu.vector_load %arg11[%swap3A_99] {strides = array<i32>} : memref<10896xi32, #tpu.memory_space<vmem>>, vector<16xi32>,
      tpu.vector_store %arg11[%swap3A_99], %broadcast_in_dim3A_5 {strides = array<i32>} : memref<10896xi32, #tpu.memory_space<vmem>>, vector<16xi32>,
      %while3A_101 = arith.constant 0 : i32
      scf.yield %while3A_101 : i32
    }
    %while3A_75 = arith.constant 0 : i32
    %while3A_76 = arith.constant 0 : i32
    %while3A_77 = arith.subi %scan3A_17, %while3A_75 : i32
    %while3A_78 = arith.addi %while3A_75, %while3A_77 : i32
    %while3A_79 = arith.constant 1 : i32
    %while3A_80 = arith.divsi %while3A_77, %while3A_79 : i32
    %while3A_81 = arith.muli %while3A_80, %while3A_79 : i32
    %while3A_82 = arith.addi %while3A_75, %while3A_81 : i32
    %while3A_83 = arith.constant 1 : i32
    %while3A_84 = scf.for %while3A_90 = %while3A_75 to %while3A_82 step %while3A_83 iter_args(%while3A_91 = %while3A_76) -> (i32)  : i32 {
      %get3A = arith.index_cast %while3A_90 : i32 to index
      %get3A_92 = tpu.vector_load %arg8[%get3A] {strides = array<i32>} : memref<10896xi32, #tpu.memory_space<vmem>>, vector<16xi32>,
      %slice3A = vector.extract_strided_slice %get3A_92 {offsets = [0], sizes = [1], strides = [1]} : vector<16xi32> to vector<1xi32>
      %squeeze3A = vector.extract %slice3A[0] : i32 from vector<1xi32>
      %get3A_93 = arith.index_cast %while3A_90 : i32 to index
      %get3A_94 = tpu.vector_load %arg9[%get3A_93] {strides = array<i32>} : memref<10896xi32, #tpu.memory_space<vmem>>, vector<16xi32>,
      %slice3A_95 = vector.extract_strided_slice %get3A_94 {offsets = [0], sizes = [1], strides = [1]} : vector<16xi32> to vector<1xi32>
      %squeeze3A_96 = vector.extract %slice3A_95[0] : i32 from vector<1xi32>
      %sub3A_97 = arith.subi %squeeze3A, %mul3A_2 : i32
      %get3A_98 = arith.index_cast %sub3A_97 : i32 to index
      %get3A_99 = memref.load %arg13[%get3A_98] : memref<320xi32, #tpu.memory_space<smem>>
      %add3A_100 = arith.constant 1 : i32
      %add3A_101 = arith.addi %get3A_99, %add3A_100 : i32
      %swap3A = arith.index_cast %sub3A_97 : i32 to index
      %swap3A_102 = memref.load %arg13[%swap3A] : memref<320xi32, #tpu.memory_space<smem>>
      memref.store %add3A_101, %arg13[%swap3A] : memref<320xi32, #tpu.memory_space<smem>>
      %broadcast_in_dim3A_103 = vector.broadcast %get3A_99 : i32 to vector<16xi32>
      %broadcast_in_dim3A_104 = vector.broadcast %squeeze3A : i32 to vector<16xi32>
      tpu.vector_store_idx %arg10[%broadcast_in_dim3A_103], %broadcast_in_dim3A_104 masked %eq3A_20 : memref<10896xi32, #tpu.memory_space<vmem>>[vector<16xi32>], vector<16xi32>, vector<16xi1>
      %broadcast_in_dim3A_105 = vector.broadcast %squeeze3A_96 : i32 to vector<16xi32>
      tpu.vector_store_idx %arg11[%broadcast_in_dim3A_103], %broadcast_in_dim3A_105 masked %eq3A_20 : memref<10896xi32, #tpu.memory_space<vmem>>[vector<16xi32>], vector<16xi32>, vector<16xi1>
      %while3A_106 = arith.constant 0 : i32
      scf.yield %while3A_106 : i32
    }
    %while3A_85 = arith.constant 1 : i32
    %while3A_86 = scf.for %while3A_90 = %while3A_82 to %while3A_78 step %while3A_85 iter_args(%while3A_91 = %while3A_84) -> (i32)  : i32 {
      %get3A = arith.index_cast %while3A_90 : i32 to index
      %get3A_92 = tpu.vector_load %arg8[%get3A] {strides = array<i32>} : memref<10896xi32, #tpu.memory_space<vmem>>, vector<16xi32>,
      %slice3A = vector.extract_strided_slice %get3A_92 {offsets = [0], sizes = [1], strides = [1]} : vector<16xi32> to vector<1xi32>
      %squeeze3A = vector.extract %slice3A[0] : i32 from vector<1xi32>
      %get3A_93 = arith.index_cast %while3A_90 : i32 to index
      %get3A_94 = tpu.vector_load %arg9[%get3A_93] {strides = array<i32>} : memref<10896xi32, #tpu.memory_space<vmem>>, vector<16xi32>,
      %slice3A_95 = vector.extract_strided_slice %get3A_94 {offsets = [0], sizes = [1], strides = [1]} : vector<16xi32> to vector<1xi32>
      %squeeze3A_96 = vector.extract %slice3A_95[0] : i32 from vector<1xi32>
      %sub3A_97 = arith.subi %squeeze3A, %mul3A_2 : i32
      %get3A_98 = arith.index_cast %sub3A_97 : i32 to index
      %get3A_99 = memref.load %arg13[%get3A_98] : memref<320xi32, #tpu.memory_space<smem>>
      %add3A_100 = arith.constant 1 : i32
      %add3A_101 = arith.addi %get3A_99, %add3A_100 : i32
      %swap3A = arith.index_cast %sub3A_97 : i32 to index
      %swap3A_102 = memref.load %arg13[%swap3A] : memref<320xi32, #tpu.memory_space<smem>>
      memref.store %add3A_101, %arg13[%swap3A] : memref<320xi32, #tpu.memory_space<smem>>
      %broadcast_in_dim3A_103 = vector.broadcast %get3A_99 : i32 to vector<16xi32>
      %broadcast_in_dim3A_104 = vector.broadcast %squeeze3A : i32 to vector<16xi32>
      tpu.vector_store_idx %arg10[%broadcast_in_dim3A_103], %broadcast_in_dim3A_104 masked %eq3A_20 : memref<10896xi32, #tpu.memory_space<vmem>>[vector<16xi32>], vector<16xi32>, vector<16xi1>
      %broadcast_in_dim3A_105 = vector.broadcast %squeeze3A_96 : i32 to vector<16xi32>
      tpu.vector_store_idx %arg11[%broadcast_in_dim3A_103], %broadcast_in_dim3A_105 masked %eq3A_20 : memref<10896xi32, #tpu.memory_space<vmem>>[vector<16xi32>], vector<16xi32>, vector<16xi1>
      %while3A_106 = arith.constant 0 : i32
      scf.yield %while3A_106 : i32
    }
    "tpu.region"() ({
      %run_scoped3A = tpu.sem_alloc : memref<!tpu.dma_semaphore, #tpu.memory_space<semaphore_mem>>
      %dma_start3A = arith.constant 0 : i32
      %dma_start3A_90 = tpu.memref_slice %arg10[%dma_start3A] : memref<10896xi32, #tpu.memory_space<vmem>> -> memref<10880xi32, #tpu.memory_space<vmem>>
      %dma_start3A_91 = tpu.memref_slice %arg4[%mul3A_4] : memref<348176xi32, #tpu.memory_space<hbm>> -> memref<10880xi32, #tpu.memory_space<hbm>>
      %dma_start3A_92 = tpu.memref_slice %arg4[%mul3A_4] : memref<348176xi32, #tpu.memory_space<hbm>> -> memref<10880xi32, #tpu.memory_space<hbm>>
      %dma_start3A_93 = arith.constant 0 : i32
      %dma_start3A_94 = tpu.memref_slice %arg10[%dma_start3A_93] : memref<10896xi32, #tpu.memory_space<vmem>> -> memref<10880xi32, #tpu.memory_space<vmem>>
      tpu.enqueue_dma source(%dma_start3A_94 : memref<10880xi32, #tpu.memory_space<vmem>>) target(%dma_start3A_92 : memref<10880xi32, #tpu.memory_space<hbm>>) target_semaphore(%run_scoped3A : memref<!tpu.dma_semaphore, #tpu.memory_space<semaphore_mem>>)
      %dma_wait3A = arith.constant 0 : i32
      %dma_wait3A_95 = tpu.memref_slice %arg10[%dma_wait3A] : memref<10896xi32, #tpu.memory_space<vmem>> -> memref<10880xi32, #tpu.memory_space<vmem>>
      %dma_wait3A_96 = tpu.memref_slice %arg4[%mul3A_4] : memref<348176xi32, #tpu.memory_space<hbm>> -> memref<10880xi32, #tpu.memory_space<hbm>>
      %dma_wait3A_97 = tpu.memref_slice %arg4[%mul3A_4] : memref<348176xi32, #tpu.memory_space<hbm>> -> memref<10880xi32, #tpu.memory_space<hbm>>
      %dma_wait3A_98 = arith.constant 0 : i32
      %dma_wait3A_99 = tpu.memref_slice %arg10[%dma_wait3A_98] : memref<10896xi32, #tpu.memory_space<vmem>> -> memref<10880xi32, #tpu.memory_space<vmem>>
      tpu.wait_dma2 semaphore(%run_scoped3A : memref<!tpu.dma_semaphore, #tpu.memory_space<semaphore_mem>>) src(%dma_wait3A_99 : memref<10880xi32, #tpu.memory_space<vmem>>) dst(%dma_wait3A_97 : memref<10880xi32, #tpu.memory_space<hbm>>)
      tpu.yield
    }) : () -> ()
    "tpu.region"() ({
      %run_scoped3A = tpu.sem_alloc : memref<!tpu.dma_semaphore, #tpu.memory_space<semaphore_mem>>
      %dma_start3A = arith.constant 0 : i32
      %dma_start3A_90 = tpu.memref_slice %arg11[%dma_start3A] : memref<10896xi32, #tpu.memory_space<vmem>> -> memref<10880xi32, #tpu.memory_space<vmem>>
      %dma_start3A_91 = tpu.memref_slice %arg5[%mul3A_4] : memref<348176xi32, #tpu.memory_space<hbm>> -> memref<10880xi32, #tpu.memory_space<hbm>>
      %dma_start3A_92 = tpu.memref_slice %arg5[%mul3A_4] : memref<348176xi32, #tpu.memory_space<hbm>> -> memref<10880xi32, #tpu.memory_space<hbm>>
      %dma_start3A_93 = arith.constant 0 : i32
      %dma_start3A_94 = tpu.memref_slice %arg11[%dma_start3A_93] : memref<10896xi32, #tpu.memory_space<vmem>> -> memref<10880xi32, #tpu.memory_space<vmem>>
      tpu.enqueue_dma source(%dma_start3A_94 : memref<10880xi32, #tpu.memory_space<vmem>>) target(%dma_start3A_92 : memref<10880xi32, #tpu.memory_space<hbm>>) target_semaphore(%run_scoped3A : memref<!tpu.dma_semaphore, #tpu.memory_space<semaphore_mem>>)
      %dma_wait3A = arith.constant 0 : i32
      %dma_wait3A_95 = tpu.memref_slice %arg11[%dma_wait3A] : memref<10896xi32, #tpu.memory_space<vmem>> -> memref<10880xi32, #tpu.memory_space<vmem>>
      %dma_wait3A_96 = tpu.memref_slice %arg5[%mul3A_4] : memref<348176xi32, #tpu.memory_space<hbm>> -> memref<10880xi32, #tpu.memory_space<hbm>>
      %dma_wait3A_97 = tpu.memref_slice %arg5[%mul3A_4] : memref<348176xi32, #tpu.memory_space<hbm>> -> memref<10880xi32, #tpu.memory_space<hbm>>
      %dma_wait3A_98 = arith.constant 0 : i32
      %dma_wait3A_99 = tpu.memref_slice %arg11[%dma_wait3A_98] : memref<10896xi32, #tpu.memory_space<vmem>> -> memref<10880xi32, #tpu.memory_space<vmem>>
      tpu.wait_dma2 semaphore(%run_scoped3A : memref<!tpu.dma_semaphore, #tpu.memory_space<semaphore_mem>>) src(%dma_wait3A_99 : memref<10880xi32, #tpu.memory_space<vmem>>) dst(%dma_wait3A_97 : memref<10880xi32, #tpu.memory_space<hbm>>)
      tpu.yield
    }) : () -> ()
    %eq3A_87 = arith.constant 31 : i32
    %eq3A_88 = arith.cmpi eq, %add3A, %eq3A_87 : i32
    %convert_element_type3A = arith.extui %eq3A_88 : i1 to i32
    %cond3A = arith.constant 0 : i32
    %cond3A_89 = arith.cmpi ne, %convert_element_type3A, %cond3A : i32
    scf.if %cond3A_89 {
      %swap3A = arith.constant 0 : index
      %swap3A_90 = tpu.vector_load %arg10[%swap3A] {strides = array<i32>} : memref<10896xi32, #tpu.memory_space<vmem>>, vector<16xi32>,
      tpu.vector_store %arg10[%swap3A], %broadcast_in_dim3A_5 {strides = array<i32>} : memref<10896xi32, #tpu.memory_space<vmem>>, vector<16xi32>,
      "tpu.region"() ({
        %run_scoped3A = tpu.sem_alloc : memref<!tpu.dma_semaphore, #tpu.memory_space<semaphore_mem>>
        %dma_start3A = arith.constant 0 : i32
        %dma_start3A_91 = tpu.memref_slice %arg10[%dma_start3A] : memref<10896xi32, #tpu.memory_space<vmem>> -> memref<16xi32, #tpu.memory_space<vmem>>
        %dma_start3A_92 = arith.constant 348160 : i32
        %dma_start3A_93 = tpu.memref_slice %arg4[%dma_start3A_92] : memref<348176xi32, #tpu.memory_space<hbm>> -> memref<16xi32, #tpu.memory_space<hbm>>
        %dma_start3A_94 = arith.constant 348160 : i32
        %dma_start3A_95 = tpu.memref_slice %arg4[%dma_start3A_94] : memref<348176xi32, #tpu.memory_space<hbm>> -> memref<16xi32, #tpu.memory_space<hbm>>
        %dma_start3A_96 = arith.constant 0 : i32
        %dma_start3A_97 = tpu.memref_slice %arg10[%dma_start3A_96] : memref<10896xi32, #tpu.memory_space<vmem>> -> memref<16xi32, #tpu.memory_space<vmem>>
        tpu.enqueue_dma source(%dma_start3A_97 : memref<16xi32, #tpu.memory_space<vmem>>) target(%dma_start3A_95 : memref<16xi32, #tpu.memory_space<hbm>>) target_semaphore(%run_scoped3A : memref<!tpu.dma_semaphore, #tpu.memory_space<semaphore_mem>>)
        %dma_wait3A = arith.constant 0 : i32
        %dma_wait3A_98 = tpu.memref_slice %arg10[%dma_wait3A] : memref<10896xi32, #tpu.memory_space<vmem>> -> memref<16xi32, #tpu.memory_space<vmem>>
        %dma_wait3A_99 = arith.constant 348160 : i32
        %dma_wait3A_100 = tpu.memref_slice %arg4[%dma_wait3A_99] : memref<348176xi32, #tpu.memory_space<hbm>> -> memref<16xi32, #tpu.memory_space<hbm>>
        %dma_wait3A_101 = arith.constant 348160 : i32
        %dma_wait3A_102 = tpu.memref_slice %arg4[%dma_wait3A_101] : memref<348176xi32, #tpu.memory_space<hbm>> -> memref<16xi32, #tpu.memory_space<hbm>>
        %dma_wait3A_103 = arith.constant 0 : i32
        %dma_wait3A_104 = tpu.memref_slice %arg10[%dma_wait3A_103] : memref<10896xi32, #tpu.memory_space<vmem>> -> memref<16xi32, #tpu.memory_space<vmem>>
        tpu.wait_dma2 semaphore(%run_scoped3A : memref<!tpu.dma_semaphore, #tpu.memory_space<semaphore_mem>>) src(%dma_wait3A_104 : memref<16xi32, #tpu.memory_space<vmem>>) dst(%dma_wait3A_102 : memref<16xi32, #tpu.memory_space<hbm>>)
        tpu.yield
      }) : () -> ()
      "tpu.region"() ({
        %run_scoped3A = tpu.sem_alloc : memref<!tpu.dma_semaphore, #tpu.memory_space<semaphore_mem>>
        %dma_start3A = arith.constant 0 : i32
        %dma_start3A_91 = tpu.memref_slice %arg10[%dma_start3A] : memref<10896xi32, #tpu.memory_space<vmem>> -> memref<16xi32, #tpu.memory_space<vmem>>
        %dma_start3A_92 = arith.constant 348160 : i32
        %dma_start3A_93 = tpu.memref_slice %arg5[%dma_start3A_92] : memref<348176xi32, #tpu.memory_space<hbm>> -> memref<16xi32, #tpu.memory_space<hbm>>
        %dma_start3A_94 = arith.constant 348160 : i32
        %dma_start3A_95 = tpu.memref_slice %arg5[%dma_start3A_94] : memref<348176xi32, #tpu.memory_space<hbm>> -> memref<16xi32, #tpu.memory_space<hbm>>
        %dma_start3A_96 = arith.constant 0 : i32
        %dma_start3A_97 = tpu.memref_slice %arg10[%dma_start3A_96] : memref<10896xi32, #tpu.memory_space<vmem>> -> memref<16xi32, #tpu.memory_space<vmem>>
        tpu.enqueue_dma source(%dma_start3A_97 : memref<16xi32, #tpu.memory_space<vmem>>) target(%dma_start3A_95 : memref<16xi32, #tpu.memory_space<hbm>>) target_semaphore(%run_scoped3A : memref<!tpu.dma_semaphore, #tpu.memory_space<semaphore_mem>>)
        %dma_wait3A = arith.constant 0 : i32
        %dma_wait3A_98 = tpu.memref_slice %arg10[%dma_wait3A] : memref<10896xi32, #tpu.memory_space<vmem>> -> memref<16xi32, #tpu.memory_space<vmem>>
        %dma_wait3A_99 = arith.constant 348160 : i32
        %dma_wait3A_100 = tpu.memref_slice %arg5[%dma_wait3A_99] : memref<348176xi32, #tpu.memory_space<hbm>> -> memref<16xi32, #tpu.memory_space<hbm>>
        %dma_wait3A_101 = arith.constant 348160 : i32
        %dma_wait3A_102 = tpu.memref_slice %arg5[%dma_wait3A_101] : memref<348176xi32, #tpu.memory_space<hbm>> -> memref<16xi32, #tpu.memory_space<hbm>>
        %dma_wait3A_103 = arith.constant 0 : i32
        %dma_wait3A_104 = tpu.memref_slice %arg10[%dma_wait3A_103] : memref<10896xi32, #tpu.memory_space<vmem>> -> memref<16xi32, #tpu.memory_space<vmem>>
        tpu.wait_dma2 semaphore(%run_scoped3A : memref<!tpu.dma_semaphore, #tpu.memory_space<semaphore_mem>>) src(%dma_wait3A_104 : memref<16xi32, #tpu.memory_space<vmem>>) dst(%dma_wait3A_102 : memref<16xi32, #tpu.memory_space<hbm>>)
        tpu.yield
      }) : () -> ()
    } else {
    }
    return
  }
}

</mosaic_0001>

<sc_bundles>
// kernel: _prep.3.cloned.1.call-start
scs
__scs_entry_jumppad:
0x0: {  	(pc) =	sbr.rel $0x88, $3  }
0x1: {  	(tag) =	ssettag $0x0;
	lr =	simm.s32 $0x1  }
0x2: {  	[smem:$0x3F9F] =	sst lr;
	_ =	strace $0xD0000000  }
0x3: {  	_ = 	snop  }
0x4: {  	_ = 	snop  }
0x5: {  	_ = 	snop  }
0x6: {  	_ = 	snop  }
0x7: {  	_ = 	snop  }
__scs_overlays_trampoline_lowered:
0x8: {  	[smem:$0x3FAE] =	sst s0  }
0x9: {  	[smem:$0x3FAF] =	sst s1  }
0xa: {  	[smem:$0x3FB0] =	sst s2  }
0xb: {  	[smem:$0x3FB1] =	sst s3  }
0xc: {  	[smem:$0x3FB2] =	sst s4  }
0xd: {  	[smem:$0x3FB3] =	sst s5  }
0xe: {  	[smem:$0x3FB4] =	sst s6  }
0xf: {  	[smem:$0x3FB5] =	sst s7  }
0x10: {  	[smem:$0x3FB6] =	sst s8  }
0x11: {  	[smem:$0x3FB7] =	sst s9;
	s0 =	simm.s32 @!p0 $0x0  }
0x12: {  	s1 =	sld [smem:$0x3F9D];
	s0 =	simm.s32 @p0 $0x1  }
0x13: {  	[smem:$0x3FB8] =	sst s0;
	s0 =	simm.s32 @!p1 $0x0  }
0x14: {  	s2 =	sld [smem:$0x3F9C];
	s0 =	simm.s32 @p1 $0x1  }
0x15: {  	[smem:$0x3FB9] =	sst s0;
	s0 =	simm.s32 @!p2 $0x0  }
0x16: {  	s3 =	sld [smem:$0x3FDB];
	s0 =	simm.s32 @p2 $0x1  }
0x17: {  	s4 =	simm.s32 $0x1BF5;
	[smem:$0x3FBB] =	sst s0  }
0x18: {  	s0 =	sld [smem:$0x3F9E];
	_ =	swait.ge [sflag:s4], $0x0  }
0x19: {  	s7 =	sld [smem:$0x3F9F]  }
0x1a: {  	s8 =	sadd.s32 $0xFFFFE003, lr  }
0x1b: {  	s9 =	sadd.s32 $0xFFFFFEF7, lr;
	s5 =	simm.s32 $0xFFFFFFFF;
	p2 =	slt.u32 s8, $0xFFFFF086  }
0x1c: {  	p1 =	slt.u32 s9, $0xF7A;
	s5 =	simm.s32 @!p2 $0x0  }
0x1d: {  	s5 =	simm.s32 @p1 $0x1;
	p0 =	seq.s32 s7, s2  }
0x1e: {  	s7 =	smul.u32 @!p0 $0xF7A, s2;
	p2 =	seq.s32 @!p0 s5, $0x0  }
0x1f: {  	s9 =	smul.u32 $0xF7A, s1;
	s8 =	simm.s32 @!p0 $0x1BF5;
	p2 =	por !p2, p0  }
0x20: {  	[sflag:s8] =	ssyncset.s32 @!p0 $0xFFFFF086;
	s6 =	sadd.s32 @!p0 s3, s7;
	s7 =	simm.s32 @!p0 $0x108  }
0x21: {  	s3 =	sadd.s32 s3, s9;
	s6 =	sadd.s32 @!p0 $0x88, s6;
	s7 =	simm.s32 @p2 $0x1082  }
0x22: {  	[simem:s7], [sflag:s8] =	dma.local @!p0 [hbm:s6], $0xF7A  }
0x23: {  	s9 =	sor.u32 $0xD0000000, s2;
	s6 =	simm.s32 $0x108;
	_ =	swait.ge @!p0 [sflag:s8], $0x0  }
0x24: {  	s3 =	sadd.s32 $0x88, s3;
	s6 =	simm.s32 @!p1 $0x1082;
	[sflag:s4] =	ssyncset.s32 $0xFFFFF086  }
0x25: {  	[simem:s6], [sflag:s4] =	dma.local [hbm:s3], $0xF7A  }
0x26: {  	[smem:$0x3F9F] =	sst s1;
	(tag) =	ssettag s2;
	_ =	strace s9  }
0x27: {  	s1 =	sld [smem:$0x3FAF]  }
0x28: {  	s2 =	sld [smem:$0x3FB0]  }
0x29: {  	s4 =	sld [smem:$0x3FB2]  }
0x2a: {  	p0 =	seq.s32 s5, $0x0;
	s5 =	sld [smem:$0x3FB3]  }
0x2b: {  	s6 =	sld [smem:$0x3FB4]  }
0x2c: {  	s7 =	sld [smem:$0x3FB5]  }
0x2d: {  	s3 =	simm.s32 $0x108;
	s8 =	sld [smem:$0x3FB6]  }
0x2e: {  	s3 =	simm.s32 @!p0 $0x1082;
	s9 =	sld [smem:$0x3FB7]  }
0x2f: {  	lr =	sadd.s32 s0, s3;
	s0 =	sld [smem:$0x3FAE]  }
0x30: {  	s3 =	sld [smem:$0x3FB1]  }
0x31: {  	[smem:$0x3FBA] =	sst s10  }
0x32: {  	s10 =	sld [smem:$0x3FB8];
	_ =	sdelay $0x3  }
0x33: {  	p0 =	seq.s32 s10, $0x1;
	s10 =	sld [smem:$0x3FBA];
	_ =	sdelay $0x3  }
0x34: {  	[smem:$0x3FBA] =	sst s10  }
0x35: {  	s10 =	sld [smem:$0x3FB9];
	_ =	sdelay $0x3  }
0x36: {  	p1 =	seq.s32 s10, $0x1;
	s10 =	sld [smem:$0x3FBA];
	_ =	sdelay $0x3  }
0x37: {  	[smem:$0x3FBA] =	sst s10  }
0x38: {  	s10 =	sld [smem:$0x3FBB]  }
0x39: {  	_ = 	snop;
	(pc) =	sbr.ind lr, $3  }
0x3a: {  	_ = 	snop  }
0x3b: {  	_ = 	snop  }
0x3c: {  	p2 =	seq.s32 s10, $0x1;
	s10 =	sld [smem:$0x3FBA]  }
0x3d: {  	_ =	shalt  }
0x3e: {  	_ =	shalt  }
0x3f: {  	_ =	shalt  }
0x40: {  	_ =	shalt  }
0x41: {  	_ =	shalt  }
0x42: {  	_ =	shalt  }
0x43: {  	_ =	shalt  }
0x44: {  	_ =	shalt  }
0x45: {  	_ =	shalt  }
0x46: {  	_ =	shalt  }
0x47: {  	_ =	shalt  }
0x48: {  	_ =	shalt  }
0x49: {  	_ =	shalt  }
0x4a: {  	_ =	shalt  }
0x4b: {  	_ =	shalt  }
0x4c: {  	_ =	shalt  }
0x4d: {  	_ =	shalt  }
0x4e: {  	_ =	shalt  }
0x4f: {  	_ =	shalt  }
0x50: {  	_ =	shalt  }
0x51: {  	_ =	shalt  }
0x52: {  	_ =	shalt  }
0x53: {  	_ =	shalt  }
0x54: {  	_ =	shalt  }
0x55: {  	_ =	shalt  }
0x56: {  	_ =	shalt  }
0x57: {  	_ =	shalt  }
0x58: {  	_ =	shalt  }
0x59: {  	_ =	shalt  }
0x5a: {  	_ =	shalt  }
0x5b: {  	_ =	shalt  }
0x5c: {  	_ =	shalt  }
0x5d: {  	_ =	shalt  }
0x5e: {  	_ =	shalt  }
0x5f: {  	_ =	shalt  }
0x60: {  	_ =	shalt  }
0x61: {  	_ =	shalt  }
0x62: {  	_ =	shalt  }
0x63: {  	_ =	shalt  }
0x64: {  	_ =	shalt  }
0x65: {  	_ =	shalt  }
0x66: {  	_ =	shalt  }
0x67: {  	_ =	shalt  }
0x68: {  	_ =	shalt  }
0x69: {  	_ =	shalt  }
0x6a: {  	_ =	shalt  }
0x6b: {  	_ =	shalt  }
0x6c: {  	_ =	shalt  }
0x6d: {  	_ =	shalt  }
0x6e: {  	_ =	shalt  }
0x6f: {  	_ =	shalt  }
0x70: {  	_ =	shalt  }
0x71: {  	_ =	shalt  }
0x72: {  	_ =	shalt  }
0x73: {  	_ =	shalt  }
0x74: {  	_ =	shalt  }
0x75: {  	_ =	shalt  }
0x76: {  	_ =	shalt  }
0x77: {  	_ =	shalt  }
0x78: {  	_ =	shalt  }
0x79: {  	_ =	shalt  }
0x7a: {  	_ =	shalt  }
0x7b: {  	_ =	shalt  }
0x7c: {  	_ =	shalt  }
0x7d: {  	_ =	shalt  }
0x7e: {  	_ =	shalt  }
0x7f: {  	_ =	shalt  }
0x80: {  	_ =	shalt  }
0x81: {  	_ =	shalt  }
0x82: {  	_ =	shalt  }
0x83: {  	_ =	shalt  }
0x84: {  	_ =	shalt  }
0x85: {  	_ =	shalt  }
0x86: {  	_ =	shalt  }
0x87: {  	_ =	shalt  }
.Lfunc_end0:
.L_simem_size_0:
called_computation_lowered:
.L_overlay_start_0:
0x88: {  	s2 =	sld [smem:$0x3FD9]  }
0x89: {  	s3 =	sld [smem:$0x3FFE];
	_ =	sdelay $0x1  }
0x8a: {  	s1 =	srdreg.scid  }
0x8b: {  	s0 =	sand.u32 $0x1, s1  }
0x8c: {  	s15 =	sshll.u32 s0, $0xA;
	s2 =	sadd.s32 s3, s2  }
0x8d: {  	s2 =	sadd.s32 s2, s15  }
0x8e: {  	[smem:$0x3FC6] =	sst s2  }
0x8f: {  	_ = 	snop  }
0x90: {  	s2 =	sld [smem:$0x3FD0];
	_ =	sdelay $0x1  }
0x91: {  	s16 =	sld [smem:$0x3FC9]  }
0x92: {  	s5 =	simm.s32 $0xA;
	s6 =	simm.s32 $0x10;
	s4 =	sld [smem:$0x3FC8]  }
0x93: {  	[smem:s6], [sflag:s5] =	dma.local [hbm:s2], $0x1  }
0x94: {  	_ =	swait.eq [sflag:s5], $0x1  }
0x95: {  	[sflag:s5] =	ssyncset.done $0x0  }
0x96: {  	s17 =	sld [smem:$0x10];
	[sflag:s5] =	ssyncadd.s32 $0xFFFFFFFF  }
0x97: {  	s18 =	sld [smem:$0x11];
	(tm) =	ssettm $0x1  }
0x98: {  	s19 =	sld [smem:$0x3FFB];
	_ =	sdelay $0x3  }
0x99: {  	_ =	strace s19  }
0x9a: {  	s6 =	sld [smem:$0x3FFC];
	_ =	sdelay $0x3  }
0x9b: {  	_ =	strace s6  }
0x9c: {  	s6 =	sld [smem:$0x3FFD];
	_ =	sdelay $0x3  }
0x9d: {  	_ =	strace s6  }
0x9e: {  	_ =	strace $0x8FFFFFFF  }
0x9f: {  	s20 =	sld [smem:$0x3FDB];
	_ =	sdelay $0x1  }
0xa0: {  	s7 =	simm.s32 $_scs_section_size  }
0xa1: {  	s8 =	simm.s32 $_size__tile_overlayer_lowered;
	s9 =	simm.s32 $_tile_overlayer_lowered  }
0xa2: {  	s23 =	simm.s32 $0x1BFF;
	s22 =	sshll.u32 s9, $0x1;
	s6 =	sadd.s32 s7, s20  }
0xa3: {  	s10 =	simm.s32 $0x0;
	s21 =	sshll.u32 s8, $0x1;
	s8 =	sadd.s32 s22, s6  }
0xa4: {  	[timem:s10], [sflag:s23] =	dma.local [hbm:s8], s21  }
0xa5: {  	_ =	swait.ge [sflag:s23], s21  }
0xa6: {  	s7 =	ssub.s32 $0x0, s21;
	[sflag:s23] =	ssyncset.done $0x0  }
0xa7: {  	[sflag:s23] =	ssyncadd.s32 s7;
	_ =	sdelay $0x1  }
0xa8: {  	s24 =	simm.s32 $0x1B8B  }
0xa9: {  	_ =	swait.ge [sflag:s24], $0x1  }
0xaa: {  	[sflag:s24] =	ssyncset.done $0x0  }
0xab: {  	s25 =	simm.s32 $0x1B8E;
	[sflag:s24] =	ssyncadd.s32 $0xFFFFFFFF  }
0xac: {  	s26 =	simm.s32 $execute0_lowered;
	[smem:$0x3FD2] =	sst s25  }
0xad: {  	s7 =	sshll.u32 s26, $0x1;
	_ =	strace $0x80000046;
	[dreg:$0x1] =	wrdreg $0xFFFFFFFF  }
0xae: {  	s28 =	simm.s32 $_size_execute0_lowered;
	s6 =	sadd.s32 s6, s7;
	[dreg:$0x0] =	wrdreg $0x0  }
0xaf: {  	s7 =	sshll.u32 s28, $0x1;
	[dreg:$0x2] =	wrdreg s6  }
0xb0: {  	[dreg:$0x3] =	wrdreg s7  }
0xb1: {  	[dreg:$0x4] =	wrdreg $0xC0  }
0xb2: {  	_ =	task [dreg:s10], $0x5FFFF  }
0xb3: {  	[dreg:$0x1] =	wrdreg $0xFFFFFFFF  }
0xb4: {  	[dreg:$0x0] =	wrdreg $0x60  }
0xb5: {  	[dreg:$0x2] =	wrdreg s16  }
0xb6: {  	[dreg:$0x3] =	wrdreg s4  }
0xb7: {  	[dreg:$0x4] =	wrdreg s17  }
0xb8: {  	[dreg:$0x5] =	wrdreg s18  }
0xb9: {  	[dreg:$0x6] =	wrdreg $0x9  }
0xba: {  	_ =	task.clear_ibuf [dreg:s10], $0x7FFFF;
	_ =	strace $0x90000046  }
0xbb: {  	s29 =	simm.s32 $0x9;
	_ =	strace $0x80000048  }
0xbc: {  	_ =	swait.ge [sflag:s29], $0x1  }
0xbd: {  	[sflag:s29] =	ssyncadd.s32 $0xFFFFFFFF  }
0xbe: {  	_ =	strace $0x90000048  }
0xbf: {  	_ =	sfence  }
0xc0: {  	s30 =	sld [smem:$0x0];
	_ =	sdelay $0x2  }
0xc1: {  	s31 =	sshll.u32 s1, $0xD;
	s1 =	sshrl.u32 s1, $0x2  }
0xc2: {  	s3 =	sand.u32 $0x4000, s31;
	s1 =	sadd.s32 s1, s30  }
0xc3: {  	s0 =	sor.u32 s3, s0;
	s1 =	sshll.u32 s1, $0x11  }
0xc4: {  	s0 =	sor.u32 s1, s0  }
0xc5: {  	s0 =	sadd.s32 $0x8F2B, s0  }
0xc6: {  	[sflag:s0] =	ssyncadd.remote.s32 $0x1  }
0xc7: {  	_ =	sfence.sel $0xFFFF  }
0xc8: {  	[dreg:$0x0] =	wrdreg $0xFFFFFFFF;
	(pc) =	sbr.abs _section_cstart, $3  }
0xc9: {  	[dreg:$0x1] =	wrdreg $0xFFFFFFFF  }
0xca: {  	_ =	task.clear_ibuf [dreg:s10], $0x2FFFF;
	_ =	strace $0x9FFFFFFF  }
0xcb: {  	(tm) =	ssettm $0x7FFFFFFF  }
tec
execute0_lowered:
.L_overlay_start_1:
0x0: {  	(tag) =	ssettag $0x1  }
0x1: {  	v0 =	vimm.s32 $0xEDCBA987;
	v1 =	vimm.s32 $0x65432100  }
0x2: {  	s2 =	rddreg [dreg:$0x0];
	v4 =	vimm.s32 $0x54321000;
	v5 =	vimm.s32 $0xDCBA9876;
	v6 =	vimm.s32 $0xBA987654  }
0x3: {  	s8 =	rddreg [dreg:$0x2];
	v7 =	vimm.s32 $0x32100000;
	v8 =	vimm.s32 $0xE40000;
	vm0 =	vmmov $0x3  }
0x4: {  	s9 =	rddreg [dreg:$0x3];
	vm1 =	vmmov $0xf;
	vm2 =	vcmask $0x3F30;
	v0 =	vunpack.c.l.s4.s8 v0  }
0x5: {  	s0 =	srdreg.scid;
	s4 =	rddreg [dreg:$0x4];
	s5 =	simm.s32 $0x0;
	v2 =	vunpack.c.l.s4.s8 v1;
	v4 =	vunpack.c.l.s4.s8 v4;
	v5 =	vunpack.c.l.s4.s8 v5  }
0x6: {  	s11 =	simm.s32 $0x1;
	s12 =	simm.s32 $0x800;
	s6 =	sand.u32 $0x1, s0;
	v6 =	vunpack.c.l.s4.s8 v6;
	v7 =	vunpack.c.l.s4.s8 v7;
	v8 =	vunpack.c.l.s2.s4 v8  }
0x7: {  	s13 =	simm.s32 $0x1000;
	s0 =	stileid.u32;
	s1 =	sshll.u32 s6, $0x4;
	v3 =	vunpack.c.0.s8.s32 v0;
	v2 =	vunpack.c.0.s8.s32 v2;
	v5 =	vunpack.c.0.s8.s32 v5  }
0x8: {  	s14 =	simm.s32 $0x3B00;
	s15 =	simm.s32 $0x6600;
	s17 =	sor.u32 s0, s1;
	v4 =	vunpack.c.0.s8.s32 v4;
	v6 =	vunpack.c.0.s8.s32 v6;
	v8 =	vunpack.c.l.s4.s8 v8  }
0x9: {  	s16 =	simm.s32 $0x9100;
	s6 =	ssub.s32 $0x2, s6;
	v7 =	vunpack.c.0.s8.s32 v7;
	s1 =	smul.u32 $0x140, s17;
	v3 =	vand.u32 $0xF, v3;
	v5 =	vand.u32 $0xF, v5  }
.Ltmp0:
0xa: {  	[smem:$0x7FF] =	sst s5;
	s10 =	sshrl.u32 s6, $0x1;
	v8 =	vunpack.c.0.s8.s32 v8;
	v4 =	vcombine.low v4, v5;
	v5 =	vand.u32 $0xF, v6;
	(pc) =	sbr.rel .LBB2_1-.Ltmp0, $4  }
0xb: {  	s7 =	smul.u32 $0x550, s17;
	s10 =	ssub.s32 s6, s10;
	p0 =	sne.s32 s17, $0x1F;
	v0 =	vmov s1;
	v5 =	vcombine.low v7, v5;
	v7 =	vimm.s32 $0x7060504  }
0xc: {  	s17 =	simm.s32 $0x0;
	s10 =	smax.u32 s10, $0x1;
	s3 =	sadd.s32 $0x140, s1;
	v2 =	vcombine.low v2, v3;
	v3 =	vimm.s32 $0x0;
	v7 =	vunpack.c.0.s8.s32 v7  }
0xd: {  	s6 =	sadd.s32 s8, s7;
	s7 =	sadd.s32 s9, s7;
	s8 =	sadd.s32 $0xAA00, s8;
	v6 =	vlaneseq.u32;
	v1 =	vmov s3;
	v8 =	vand.u32 $0x3, v8  }
0xe: {  	s9 =	sadd.s32 $0xAA00, s9;
	s3 =	rddreg [dreg:$0x1];
	_ =	strace $0x80000047;
	v7 =	vsel vm2, v7, v8;
	vm2 =	vmmov $0xff;
	v8 =	vimm.s32 $0x2710  }
.LBB2_26:
0xf: {  	s19 =	simm.s32 $0x3B00  }
.LBB2_30:
0x10: {  	(v2sf) =	vpush v9, $0x0;
	_ =	sdelay $0xe  }
0x11: {  	s20 =	spop (v2sf)  }
0x12: {  	s20 =	ssub.s32 s20, s1  }
0x13: {  	s21 =	sld [smem:s20+$0x180];
	_ =	sdelay $0x1  }
0x14: {  	s19 =	sadd.s32 @p1 $0x1, s19  }
0x15: {  	s18 =	smov.u32 @p1 s19;
	v10 =	vmov s21  }
0x16: {  	v11 =	vld.msk [tilespmem:s18+$0x0 ss:$0x0], $0xffff;
	_ =	sdelay $0x1  }
0x17: {  	v9 =	vbroadcast v9, $0x0;
	_ =	sdelay $0x1  }
0x18: {  	s31 =	sadd.s32 $0x1, s21;
	[tilespmem:v10+s15+$0x0] =	vst.idx.msk $0x1, v9  }
0x19: {  	[smem:s20+$0x180] =	sst s31;
	[tilespmem:v10+s16+$0x0] =	vst.idx.msk $0x1, v11  }
.LBB2_31:
0x1a: {  	[hbm4b:s6+s5] =	stream.linear.scatter [tilespmem:s15], [sflag:$0x1], $0x2A80, $0x38;
	[tilespmem:$0xBC00] =	vst v63  }
0x1b: {  	_ =	swait.ge [sflag:s11], $0x2A80  }
0x1c: {  	[sflag:s11] =	ssyncset.done $0x0  }
0x1d: {  	[sflag:s11] =	ssyncadd.s32 $0xFFFFD580  }
0x1e: {  	[hbm4b:s7+s5] =	stream.linear.scatter [tilespmem:s16], [sflag:$0x1], $0x2A80, $0x38;
	[tilespmem:$0xBC00] =	vst v63  }
0x1f: {  	_ =	swait.ge [sflag:s11], $0x2A80  }
0x20: {  	[sflag:s11] =	ssyncset.done $0x0  }
0x21: {  	v9 =	vimm.s32 @!p0 $0x0;
	[sflag:s11] =	ssyncadd.s32 $0xFFFFD580  }
0x22: {  	s18 =	simm.s32 @!p0 $0x0;
	s19 =	simm.s32 @!p0 $0x6600;
	s20 =	simm.s32 @!p0 $0x1;
	[tilespmem:$0x6600] =	vst @!p0 v9  }
0x23: {  	[hbm4b:s8+s18] =	stream.linear.scatter @!p0 [tilespmem:s19], [sflag:$0x1], $0x10, $0x38;
	[tilespmem:$0xBC00] =	vst v63  }
0x24: {  	s17 =	sadd.s32 $0x1, s17;
	_ =	swait.ge @!p0 [sflag:s20], $0x10  }
0x25: {  	p1 =	sne.s32 s17, s10;
	[sflag:s20] =	ssyncset.done @!p0 $0x0  }
.Ltmp1:
0x26: {  	[sflag:s20] =	ssyncadd.s32 @!p0 $0xFFFFFFF0;
	(pc) =	sbr.rel @!p1 .LBB2_32-.Ltmp1, $4  }
0x27: {  	[hbm4b:s9+s18] =	stream.linear.scatter @!p0 [tilespmem:s19], [sflag:$0x1], $0x10, $0x38;
	[tilespmem:$0xBC00] =	vst v63  }
0x28: {  	_ =	swait.ge @!p0 [sflag:s20], $0x10  }
0x29: {  	[sflag:s20] =	ssyncset.done @!p0 $0x0  }
0x2a: {  	[sflag:s20] =	ssyncadd.s32 @!p0 $0xFFFFFFF0  }
.LBB2_1:
0x2b: {  	s18 =	simm.s32 $0x4;
	s19 =	simm.s32 $0x0;
	s20 =	simm.s32 $0x0  }
.LBB2_2:
0x2c: {  	p1 =	seq.s32 s18, $0x4FC  }
0x2d: {  	[smem:s19] =	sst s20;
	s19 =	smov.u32 s18;
	s18 =	sadd.s32 $0x4, s18  }
.Ltmp2:
0x2e: {  	(pc) =	sbr.rel @!p1 .LBB2_2-.Ltmp2, $2  }
0x2f: {  	_ =	sdelay $0x2  }
0x30: {  	s20 =	simm.s32 $0x0;
	s19 =	sshra.s32 s19, $0x2  }
0x31: {  	[smem:s19] =	sst s20;
	s18 =	simm.s32 $0x0;
	s21 =	simm.s32 $0x0  }
.LBB2_4:
0x32: {  	s19 =	smul.u32 $0xFA, s21;
	_ =	sdelay $0x1  }
0x33: {  	s22 =	sadd.s32 s2, s19  }
0x34: {  	[tilespmem:s20], [sflag:$0x1] =	stream.linear.gather [hbm4b:s22+s20], $0x7D0, $0x38;
	[tilespmem:$0xBC00] =	vst v63  }
0x35: {  	_ =	swait.ge [sflag:s11], $0x7D0  }
0x36: {  	[sflag:s11] =	ssyncset.done $0x0  }
0x37: {  	s19 =	sadd.s32 s3, s19;
	[sflag:s11] =	ssyncadd.s32 $0xFFFFF830  }
0x38: {  	[tilespmem:s12], [sflag:$0x1] =	stream.linear.gather [hbm4b:s19+s20], $0x7D0, $0x38;
	[tilespmem:$0xBC00] =	vst v63  }
0x39: {  	_ =	swait.ge [sflag:s11], $0x7D0  }
0x3a: {  	[sflag:s11] =	ssyncset.done $0x0  }
0x3b: {  	s19 =	simm.s32 $0x0;
	[sflag:s11] =	ssyncadd.s32 $0xFFFFF830  }
0x3c: {  	s22 =	simm.s32 $0x40;
	v9 =	vld [tilespmem:s19+$0x0]  }
.LBB2_5:
0x3d: {  	p1 =	sne.s32 s22, $0x1F00;
	_ =	sdelay $0x3  }
0x3e: {  	vm3 =	vge.s32 v9, v0;
	vm4 =	vlt.s32 v9, v1  }
0x3f: {  	vm4 =	vmand vm3, vm4  }
0x40: {  	v10 =	vsel vm4, $0x1, v3;
	v11 =	vmpcnt.ones.xlane vm4  }
0x41: {  	v12 =	vperm.xlane v10, v2  }
0x42: {  	vm3 =	veq.s32 v6, $0x0;
	(v2sf) =	vpush v11, $0x0  }
0x43: {  	v11 =	vsel vm3, $0x0, v12  }
0x44: {  	v10 =	vadd.s32 v10, v11  }
0x45: {  	v11 =	vperm.xlane v10, v4;
	_ =	sdelay $0x1  }
0x46: {  	v11 =	vsel vm0, $0x0, v11  }
0x47: {  	v10 =	vadd.s32 v11, v10  }
0x48: {  	v11 =	vperm.xlane v10, v5;
	_ =	sdelay $0x1  }
0x49: {  	v11 =	vsel vm1, $0x0, v11  }
0x4a: {  	v10 =	vadd.s32 v11, v10  }
0x4b: {  	v11 =	vperm.xlane v10, v7  }
0x4c: {  	v12 =	vsel vm4, $0xFFFFFFFF, v3  }
0x4d: {  	v12 =	vadd.s32 s18, v12;
	v11 =	vsel vm2, $0x0, v11  }
0x4e: {  	v11 =	vadd.s32 v11, v12  }
0x4f: {  	v10 =	vadd.s32 v10, v11;
	s23 =	spop (v2sf)  }
0x50: {  	v11 =	vld [tilespmem:s19+$0x800];
	s18 =	sadd.s32 s18, s23  }
0x51: {  	p2 =	slt.s32 s18, $0x2A70  }
.Ltmp3:
0x52: {  	s18 =	simm.s32 @!p2 $0x2A70;
	(pc) =	sbr.rel @p1 .LBB2_5-.Ltmp3, $4  }
0x53: {  	_ = 	snop  }
0x54: {  	[tilespmem:v10+s13+$0x0] =	vst.idx.msk vm4, v9  }
0x55: {  	s19 =	sshra.s32 s22, $0x2;
	[tilespmem:v10+s14+$0x0] =	vst.idx.msk vm4, v11  }
0x56: {  	s22 =	sadd.s32 $0x40, s22;
	v9 =	vld [tilespmem:s19+$0x0]  }
0x57: {  	_ =	sdelay $0x3  }
0x58: {  	vm4 =	vge.s32 v9, v0;
	vm5 =	vlt.s32 v9, v1  }
0x59: {  	vm4 =	vmand vm4, vm5  }
0x5a: {  	v10 =	vsel vm4, $0x1, v3  }
0x5b: {  	v11 =	vperm.xlane v10, v2;
	_ =	sdelay $0x1  }
0x5c: {  	v12 =	vmpcnt.ones.xlane vm4;
	v11 =	vsel vm3, $0x0, v11  }
0x5d: {  	v10 =	vadd.s32 v10, v11  }
0x5e: {  	(v2sf) =	vpush v12, $0x0;
	v11 =	vperm.xlane v10, v4;
	_ =	sdelay $0x1  }
0x5f: {  	v11 =	vsel vm0, $0x0, v11  }
0x60: {  	v10 =	vadd.s32 v11, v10  }
0x61: {  	v11 =	vperm.xlane v10, v5;
	_ =	sdelay $0x1  }
0x62: {  	v11 =	vsel vm1, $0x0, v11  }
0x63: {  	v10 =	vadd.s32 v11, v10  }
0x64: {  	v11 =	vperm.xlane v10, v7  }
0x65: {  	v63 =	vsel vm4, $0xFFFFFFFF, v3  }
0x66: {  	v12 =	vadd.s32 s18, v63;
	v11 =	vsel vm2, $0x0, v11  }
0x67: {  	v11 =	vadd.s32 v11, v12  }
0x68: {  	s21 =	sadd.s32 $0x1, s21;
	v10 =	vadd.s32 v10, v11  }
0x69: {  	p2 =	seq.s32 s21, $0xA0;
	v11 =	vld [tilespmem:s19+$0x800]  }
.Ltmp4:
0x6a: {  	_ = 	snop;
	(pc) =	sbr.rel @!p2 .LBB2_4-.Ltmp4, $4  }
0x6b: {  	s31 =	spop (v2sf)  }
0x6c: {  	s19 =	sadd.s32 s18, s31  }
0x6d: {  	p1 =	slt.s32 s19, $0x2A70;
	s18 =	smov.u32 s19;
	[tilespmem:v10+s13+$0x0] =	vst.idx.msk vm4, v9  }
0x6e: {  	s18 =	simm.s32 @!p1 $0x2A70;
	[tilespmem:v10+s14+$0x0] =	vst.idx.msk vm4, v11  }
0x6f: {  	p2 =	slt.s32 s19, $0x1  }
.Ltmp5:
0x70: {  	_ = 	snop;
	(pc) =	sbr.rel @p2 .LBB2_19-.Ltmp5, $1  }
0x71: {  	_ =	sdelay $0x3  }
0x72: {  	s20 =	smov.u32 s19  }
0x73: {  	s21 =	simm.s32 $0x1000;
	s20 =	simm.s32 @!p1 $0x2A70  }
0x74: {  	v9 =	vld [tilespmem:s21+$0x0];
	p6 =	sne.s32 s20, $0x1  }
.Ltmp6:
0x75: {  	_ = 	snop;
	(pc) =	sbr.rel @!p6 .LBB2_9-.Ltmp6, $3  }
0x76: {  	_ =	sdelay $0x1  }
0x77: {  	p3 =	por $0x0, $0x0;
	p4 =	por $0x0, $0x0  }
0x78: {  	p5 =	por $0x0, $0x0;
	s21 =	simm.s32 $0x1001;
	s20 =	sadd.s32 $0xFFFFFFFF, s20;
	(v2sf) =	vpush v9, $0x0  }
0x79: {  	v9 =	vld [tilespmem:s21+$0x0];
	_ =	sdelay $0x4  }
0x7a: {  	(v2sf) =	vpush v9, $0x0;
	_ =	sdelay $0x6  }
0x7b: {  	p6 =	sne.s32 s20, $0x1  }
.Ltmp7:
0x7c: {  	_ = 	snop;
	(pc) =	sbr.rel @!p6 .LBB2_11-.Ltmp7, $2  }
0x7d: {  	_ =	sdelay $0x2  }
0x7e: {  	s20 =	sadd.s32 $0xFFFFFFFF, s20;
	s21 =	simm.s32 $0x1002;
	p3 =	por $0x1, $0x1  }
0x7f: {  	v9 =	vld [tilespmem:s21+$0x0];
	_ =	sdelay $0x4  }
0x80: {  	(v2sf) =	vpush v9, $0x0;
	_ =	sdelay $0x3  }
0x81: {  	p6 =	sne.s32 s20, $0x1  }
.Ltmp8:
0x82: {  	_ = 	snop;
	(pc) =	sbr.rel @!p6 .LBB2_13-.Ltmp8, $2  }
0x83: {  	_ =	sdelay $0x2  }
0x84: {  	s20 =	sadd.s32 $0xFFFFFFFF, s20;
	s21 =	simm.s32 $0x1003;
	p4 =	por $0x1, $0x1  }
0x85: {  	v9 =	vld [tilespmem:s21+$0x0];
	_ =	sdelay $0x4  }
0x86: {  	(v2sf) =	vpush v9, $0x0;
	_ =	sdelay $0x3  }
0x87: {  	p6 =	sne.s32 s20, $0x1  }
.Ltmp9:
0x88: {  	_ = 	snop;
	(pc) =	sbr.rel @!p6 .LBB2_15-.Ltmp9, $4  }
0x89: {  	s31 =	spop (v2sf)  }
0x8a: {  	s21 =	ssub.s32 s31, s1  }
0x8b: {  	s22 =	sadd.s32 $0xFFFFFFFF, s20;
	s20 =	sld [smem:s21+$0x0]  }
0x8c: {  	s23 =	simm.s32 $0x1004;
	p5 =	por $0x1, $0x1  }
.LBB2_16:
0x8d: {  	v9 =	vld [tilespmem:s23+$0x0];
	p6 =	sne.s32 s22, $0x1;
	s22 =	sadd.s32 $0xFFFFFFFF, s22  }
.Ltmp10:
0x8e: {  	s20 =	sadd.s32 $0x1, s20;
	(pc) =	sbr.rel @p6 .LBB2_16-.Ltmp10, $4  }
0x8f: {  	s24 =	spop (v2sf);
	[smem:s21] =	sst s20  }
0x90: {  	s21 =	ssub.s32 s24, s1  }
0x91: {  	s20 =	sld [smem:s21+$0x0]  }
0x92: {  	s23 =	sadd.s32 $0x1, s23;
	(v2sf) =	vpush v9, $0x0  }
0x93: {  	_ = 	snop  }
.LBB2_18:
0x94: {  	_ = 	snop  }
0x95: {  	s20 =	sadd.s32 @p5 $0x1, s20;
	s22 =	spop @p4 (v2sf)  }
0x96: {  	[smem:s21] =	sst @p5 s20;
	s20 =	ssub.s32 @p4 s22, s1  }
0x97: {  	s21 =	sld @p4 [smem:s20+$0x0];
	_ =	sdelay $0x2  }
0x98: {  	s21 =	smov.u32 @p4 s21  }
0x99: {  	s22 =	spop @p3 (v2sf);
	s20 =	smov.u32 @p4 s20;
	s21 =	sadd.s32 @p4 $0x1, s21  }
0x9a: {  	[smem:s20] =	sst @p4 s21;
	s20 =	ssub.s32 @p3 s22, s1  }
0x9b: {  	s21 =	sld @p3 [smem:s20+$0x0];
	_ =	sdelay $0x2  }
0x9c: {  	s21 =	smov.u32 @p3 s21  }
0x9d: {  	s20 =	smov.u32 @p3 s20;
	s21 =	sadd.s32 @p3 $0x1, s21;
	s30 =	spop (v2sf)  }
0x9e: {  	[smem:s20] =	sst @p3 s21;
	s31 =	ssub.s32 s30, s1  }
0x9f: {  	s21 =	sld [smem:s31+$0x0];
	_ =	sdelay $0x2  }
0xa0: {  	s21 =	sadd.s32 $0x1, s21  }
0xa1: {  	[smem:s31] =	sst s21  }
.LBB2_19:
0xa2: {  	s20 =	simm.s32 $0x0  }
0xa3: {  	[smem:$0x180] =	sst s20  }
0xa4: {  	s21 =	simm.s32 $0x4;
	s22 =	sld [smem:$0x0]  }
.LBB2_20:
0xa5: {  	p3 =	sne.s32 s21, $0x4FC  }
.Ltmp11:
0xa6: {  	_ = 	snop;
	(pc) =	sbr.rel @p3 .LBB2_20-.Ltmp11, $4  }
0xa7: {  	s31 =	smov.u32 s21  }
0xa8: {  	s20 =	sadd.s32 s20, s22;
	s22 =	sshra.s32 s31, $0x2  }
0xa9: {  	[smem:s22+$0x180] =	sst s20  }
0xaa: {  	s21 =	sadd.s32 $0x4, s21;
	s22 =	sld [smem:s22+$0x0]  }
0xab: {  	s18 =	ssub.s32 $0x2A8F, s18  }
0xac: {  	s20 =	sand.u32 $0xF, s18  }
0xad: {  	s21 =	sshra.s32 s18, $0x1F;
	p3 =	slt.s32 s18, $0x0;
	p4 =	sne.s32 s20, $0x0  }
0xae: {  	s31 =	sshrl.u32 s21, $0x1C;
	p3 =	por !p3, !p4  }
0xaf: {  	s20 =	simm.s32 $0x1;
	s18 =	sadd.s32 s31, s18;
	p3 =	por !p3, !p3  }
0xb0: {  	s18 =	sshra.s32 s18, $0x4;
	s20 =	simm.s32 @!p3 $0x0  }
0xb1: {  	s20 =	ssub.s32 s18, s20  }
0xb2: {  	p3 =	slt.s32 s20, $0x1  }
.Ltmp12:
0xb3: {  	_ = 	snop;
	(pc) =	sbr.rel @p3 .LBB2_24-.Ltmp12, $1  }
0xb4: {  	_ =	sdelay $0x3  }
0xb5: {  	s18 =	smov.u32 s19  }
0xb6: {  	p3 =	seq.s32 s20, $0x1;
	s18 =	simm.s32 @!p1 $0x2A70  }
.Ltmp13:
0xb7: {  	s18 =	sshll.u32 s18, $0x2;
	(pc) =	sbr.rel @p3 .LBB2_24-.Ltmp13, $4  }
0xb8: {  	s18 =	sshra.s32 s18, $0x2  }
0xb9: {  	s21 =	sadd.s32 $0x6600, s18  }
0xba: {  	s18 =	sadd.s32 $0x9100, s18;
	[tilespmem:s21+$0x0] =	vst v8  }
0xbb: {  	s20 =	sadd.s32 $0xFFFFFFFF, s20;
	s21 =	sadd.s32 $0x10, s21;
	[tilespmem:s18+$0x0] =	vst v3  }
.LBB2_23:
0xbc: {  	[tilespmem:s21+$0x0] =	vst v8;
	s18 =	sadd.s32 $0x10, s18;
	p3 =	seq.s32 s20, $0x1  }
.Ltmp14:
0xbd: {  	s20 =	sadd.s32 $0xFFFFFFFF, s20;
	[tilespmem:s18+$0x0] =	vst v3;
	(pc) =	sbr.rel @!p3 .LBB2_23-.Ltmp14, $2  }
0xbe: {  	_ =	sdelay $0x2  }
0xbf: {  	s21 =	sadd.s32 $0x10, s21  }
.LBB2_24:
.Ltmp15:
0xc0: {  	(pc) =	sbr.rel @p2 .LBB2_31-.Ltmp15, $1  }
0xc1: {  	_ =	sdelay $0x3  }
0xc2: {  	s19 =	simm.s32 @!p1 $0x2A70  }
0xc3: {  	s20 =	simm.s32 $0x1000;
	p2 =	sne.s32 s19, $0x1  }
.Ltmp16:
0xc4: {  	v9 =	vld [tilespmem:s20+$0x0];
	(pc) =	sbr.rel @!p2 .LBB2_26-.Ltmp16, $2  }
0xc5: {  	_ =	sdelay $0x2  }
0xc6: {  	s18 =	simm.s32 $0x3B00;
	p1 =	por $0x0, $0x0;
	s19 =	sadd.s32 $0xFFFFFFFF, s19  }
0xc7: {  	(v2sf) =	vpush v9, $0x0;
	_ =	sdelay $0xe  }
0xc8: {  	s20 =	spop (v2sf)  }
0xc9: {  	s20 =	ssub.s32 s20, s1  }
0xca: {  	s21 =	sld [smem:s20+$0x180];
	_ =	sdelay $0x2  }
0xcb: {  	v10 =	vmov s21  }
0xcc: {  	v11 =	vld.msk [tilespmem:s18+$0x0 ss:$0x0], $0xffff;
	_ =	sdelay $0x1  }
0xcd: {  	v9 =	vbroadcast v9, $0x0;
	_ =	sdelay $0x1  }
0xce: {  	s21 =	sadd.s32 $0x1, s21;
	[tilespmem:v10+s15+$0x0] =	vst.idx.msk $0x1, v9  }
0xcf: {  	p2 =	sne.s32 s19, $0x1;
	[smem:s20+$0x180] =	sst s21;
	s20 =	simm.s32 $0x1001;
	[tilespmem:v10+s16+$0x0] =	vst.idx.msk $0x1, v11  }
.Ltmp17:
0xd0: {  	v9 =	vld [tilespmem:s20+$0x0];
	(pc) =	sbr.rel @!p2 .LBB2_28-.Ltmp17, $2  }
0xd1: {  	_ =	sdelay $0x2  }
0xd2: {  	p1 =	por $0x1, $0x1;
	s21 =	sadd.s32 $0xFFFFFFFF, s19;
	s19 =	simm.s32 $0x3B00  }
.LBB2_29:
0xd3: {  	p2 =	sne.s32 s21, $0x1;
	_ =	sdelay $0x2  }
0xd4: {  	(v2sf) =	vpush v9, $0x0;
	_ =	sdelay $0xe  }
0xd5: {  	s22 =	spop (v2sf)  }
0xd6: {  	s22 =	ssub.s32 s22, s1  }
0xd7: {  	s23 =	sld [smem:s22+$0x180];
	_ =	sdelay $0x1  }
0xd8: {  	s19 =	sadd.s32 $0x1, s19  }
0xd9: {  	s24 =	sadd.s32 $0x1, s23;
	v10 =	vmov s23;
	v11 =	vld.msk [tilespmem:s19+$0x0 ss:$0x0], $0xffff  }
0xda: {  	[smem:s22+$0x180] =	sst s24;
	_ =	sdelay $0x1  }
0xdb: {  	v9 =	vbroadcast v9, $0x0  }
.Ltmp18:
0xdc: {  	(pc) =	sbr.rel @p2 .LBB2_29-.Ltmp18, $4  }
0xdd: {  	[tilespmem:v10+s15+$0x0] =	vst.idx.msk $0x1, v9  }
0xde: {  	s20 =	sadd.s32 $0x1, s20;
	[tilespmem:v10+s16+$0x0] =	vst.idx.msk $0x1, v11  }
0xdf: {  	v9 =	vld [tilespmem:s20+$0x0]  }
0xe0: {  	s21 =	sadd.s32 $0xFFFFFFFF, s21  }
.Ltmp19:
0xe1: {  	_ = 	snop;
	(pc) =	sbr.rel .LBB2_30-.Ltmp19, $1  }
0xe2: {  	_ =	sdelay $0x3  }
.LBB2_9:
.Ltmp20:
0xe3: {  	(pc) =	sbr.rel .LBB2_18-.Ltmp20, $2  }
0xe4: {  	_ =	sdelay $0x2  }
0xe5: {  	_ = 	snop  }
.LBB2_11:
.Ltmp21:
0xe6: {  	(pc) =	sbr.rel .LBB2_18-.Ltmp21, $2  }
0xe7: {  	_ =	sdelay $0x2  }
0xe8: {  	_ = 	snop  }
.LBB2_28:
.Ltmp22:
0xe9: {  	(pc) =	sbr.rel .LBB2_30-.Ltmp22, $2  }
0xea: {  	_ =	sdelay $0x2  }
0xeb: {  	s19 =	simm.s32 $0x3B00  }
.LBB2_13:
.Ltmp23:
0xec: {  	(pc) =	sbr.rel .LBB2_18-.Ltmp23, $2  }
0xed: {  	_ =	sdelay $0x3  }
0xee: {  	_ = 	snop  }
.LBB2_15:
.Ltmp24:
0xef: {  	(pc) =	sbr.rel .LBB2_18-.Ltmp24, $1  }
0xf0: {  	_ =	sdelay $0x3  }
.LBB2_32:
0xf1: {  	_ =	sfence.sel $0x180000  }
0xf2: {  	[bflag:$0x0] =	sbarrier.arrive $0xFFFF  }
0xf3: {  	p0 =	sne.s32 s0, $0x0;
	_ =	strace $0x90000047  }
0xf4: {  	s0 =	sadd.s32 @!p0 $0x100000, s4;
	[bflag:$0x2] =	sbarrier.arrive $0xFFFF  }
0xf5: {  	[sflag:s0] =	ssyncadd.tile.s32 @!p0 $0x1;
	_ =	shalt  }
.Lfunc_end2:
_tile_overlayer_lowered:
.L_overlay_start_2:
0xf6: {  	(tag) =	ssettag $0x2  }
0xf7: {  	s0 =	rddreg [dreg:$0x0];
	s2 =	stileid.u32  }
0xf8: {  	s1 =	rddreg [dreg:$0x1];
	p0 =	sne.s32 s2, $0x0  }
0xf9: {  	s3 =	rddreg [dreg:$0x2];
	[bflag:$0x3] =	sbarrier.arrive $0xFFFF;
	s2 =	simm.s32 @!p0 $0x1C01  }
0xfa: {  	[timem:s3], [sflag:s2] =	dma.local @!p0 [hbm:s0], s1  }
0xfb: {  	s0 =	simm.s32 @!p0 $0x1  }
0xfc: {  	_ =	swait.ge @!p0 [sflag:s0], s1  }
0xfd: {  	s1 =	ssub.s32 @!p0 $0x0, s1;
	[sflag:s0] =	ssyncset.done @!p0 $0x0  }
0xfe: {  	[sflag:s0] =	ssyncadd.s32 @!p0 s1  }
0xff: {  	[bflag:$0x3] =	sbarrier.arrive $0xFFFF  }
0x100: {  	_ =	shalt  }

</sc_bundles>
